<compile_context>
chip_gen: v7x
topology: tpu7x:2x2x1
jax: 0.10.2.dev20260603
libtpu: 0.0.44.dev20260713+nightly
codegen_flags: <defaults>
</compile_context>

<pallas_src>
import functools

import jax
import jax.numpy as jnp
from jax import lax
from jax.experimental import pallas as pl
from jax.experimental.pallas import tpu as pltpu
from jax.experimental.pallas import tpu_sc as plsc

B = 16384
D_IND = 64
D_ROLE = 128

N_IND = 1000000

_info = plsc.get_sparse_core_info()
NC, NS = _info.num_cores, _info.num_subcores
NW = NC * NS
B_PER_W = B // NW
CHUNK = 128
N_CHUNKS = B_PER_W // CHUNK

TR_LANES = 16384
TR_GRID = (N_IND + TR_LANES - 1) // TR_LANES
SLAB_ROWS = TR_GRID * (TR_LANES // 2)
HALF = TR_LANES // 2


def _tr_body(in_ref, out_ref):
    t = in_ref[...].T
    out_ref[:, 0:D_IND] = t[0:HALF]
    out_ref[:, D_IND:2 * D_IND] = t[HALF:TR_LANES]


_transpose = pl.pallas_call(
    _tr_body,
    grid=(TR_GRID,),
    in_specs=[pl.BlockSpec((D_IND, TR_LANES), lambda i: (0, i))],
    out_specs=pl.BlockSpec((HALF, 2 * D_IND), lambda i: (i, 0)),
    out_shape=jax.ShapeDtypeStruct((SLAB_ROWS, 2 * D_IND), jnp.float32),
)


def _remap(j):
    return (j // TR_LANES) * TR_LANES + ((j % HALF) << 1) + ((j % TR_LANES) // HALF)


def _make_kernel():
    mesh = plsc.VectorSubcoreMesh(core_axis_name="c", subcore_axis_name="s")

    @functools.partial(
        pl.kernel,
        mesh=mesh,
        compiler_params=pltpu.CompilerParams(use_tc_tiling_on_sc=False),
        out_type=[
            jax.ShapeDtypeStruct((B, D_ROLE), jnp.float32),
            jax.ShapeDtypeStruct((B, 2 * D_IND), jnp.float32),
            jax.ShapeDtypeStruct((B, 2 * D_IND), jnp.float32),
        ],
        scratch_types=[
            pltpu.VMEM((2, 4, CHUNK), jnp.int32),
            pltpu.VMEM((2, CHUNK, D_ROLE), jnp.float32),
            pltpu.VMEM((2, CHUNK, D_IND), jnp.float32),
            pltpu.VMEM((2, CHUNK, D_IND), jnp.float32),
            pltpu.VMEM((2, CHUNK, D_IND), jnp.float32),
            pltpu.SemaphoreType.DMA,
            pltpu.SemaphoreType.DMA,
            pltpu.SemaphoreType.DMA,
            pltpu.SemaphoreType.DMA,
        ],
    )
    def gather_kernel(idx_hbm, ind_hbm, role_hbm, out1, out2, out3,
                      idx_v, role_v, subj_v, obj_v, neg_v,
                      gsem0, gsem1, wsem0, wsem1):
        wid = lax.axis_index("s") * NC + lax.axis_index("c")
        gsems = (gsem0, gsem1)
        wsems = (wsem0, wsem1)
        gathers = {}
        writes = {}

        def fire_gathers(ci):
            b = ci % 2
            base = wid * B_PER_W + ci * CHUNK
            pltpu.sync_copy(idx_hbm.at[:, pl.ds(base, CHUNK)], idx_v.at[b])
            gathers[ci] = [
                pltpu.async_copy(ind_hbm.at[idx_v.at[b, 0]], subj_v.at[b],
                                 gsems[b]),
                pltpu.async_copy(ind_hbm.at[idx_v.at[b, 1]], obj_v.at[b],
                                 gsems[b]),
                pltpu.async_copy(ind_hbm.at[idx_v.at[b, 2]], neg_v.at[b],
                                 gsems[b]),
                pltpu.async_copy(role_hbm.at[idx_v.at[b, 3]], role_v.at[b],
                                 gsems[b]),
            ]

        def fire_writes(ci):
            b = ci % 2
            base = wid * B_PER_W + ci * CHUNK
            for d in gathers.pop(ci):
                d.wait()
            writes[ci] = [
                pltpu.async_copy(role_v.at[b], out1.at[pl.ds(base, CHUNK)],
                                 wsems[b]),
                pltpu.async_copy(subj_v.at[b],
                                 out2.at[pl.ds(base, CHUNK), pl.ds(0, D_IND)],
                                 wsems[b]),
                pltpu.async_copy(obj_v.at[b],
                                 out2.at[pl.ds(base, CHUNK),
                                         pl.ds(D_IND, D_IND)],
                                 wsems[b]),
                pltpu.async_copy(subj_v.at[b],
                                 out3.at[pl.ds(base, CHUNK), pl.ds(0, D_IND)],
                                 wsems[b]),
                pltpu.async_copy(neg_v.at[b],
                                 out3.at[pl.ds(base, CHUNK),
                                         pl.ds(D_IND, D_IND)],
                                 wsems[b]),
            ]

        fire_gathers(0)
        for ci in range(1, N_CHUNKS):
            if ci >= 2:
                for d in writes.pop(ci - 2):
                    d.wait()
            fire_gathers(ci)
            fire_writes(ci - 1)
        fire_writes(N_CHUNKS - 1)
        for ci in list(writes):
            for d in writes.pop(ci):
                d.wait()

    return gather_kernel


_gather = _make_kernel()


def kernel(data, ind_table, role_table):
    neg_key = jax.random.key(42)
    neg = jax.random.randint(neg_key, (data.shape[0],), 0, ind_table.shape[0],
                             dtype=jnp.int32)
    idx = jnp.stack([_remap(data[:, 0]), _remap(data[:, 2]), _remap(neg),
                     data[:, 1]], axis=0)
    slab = _transpose(ind_table.T).reshape(2 * SLAB_ROWS, D_IND)
    out1, out2, out3 = _gather(idx, slab, role_table)
    return (out1, out2, out3)

# --- scband reference (transcript-rebuilt; emitter-appended) ---
"""Pipeline reference for scband-faith-el-86672440033448 (READ-ONLY COPY).

The authoritative reference and input builder live on the scoring server;
editing this copy changes nothing except your own understanding.
"""

import jax, jax.numpy as jnp
import numpy as np

B = 16384
EMB_DIM = 64
N_IND = 1000000
N_ROLE = 100000
SCALE_FACTOR = 1.0


def setup_inputs(seed: int = 0) -> dict:
    key = jax.random.key(seed)
    k1, k2, k3 = jax.random.split(key, 3)
    # forward input: triples (subject, role, object). Width 3 selects the
    # relational branch of FaithEL.forward (subj_entity_idx == 0).
    data = jax.random.randint(k1, (B, 3), 0, N_ROLE, dtype=jnp.int32)
    # individual embedding table, init normal(mean=SCALE_FACTOR/2, std=0.3)
    ind_table = SCALE_FACTOR / 2 + 0.3 * jax.random.normal(k2, (N_IND, EMB_DIM), dtype=jnp.float32)
    # role embedding table has width emb_dim*2 (pairs of points). The torch
    # code copies precomputed centroids; we use random init of same shape.
    role_table = jax.random.normal(k3, (N_ROLE, EMB_DIM * 2), dtype=jnp.float32)
    return {"data": data, "ind_table": ind_table, "role_table": role_table}


def reference(data, ind_table, role_table):
    # relational-triple branch of FaithEL.forward
    subject_entity = data[:, 0]
    role = data[:, 1]
    object_entity = data[:, 2]
    # torch.randint negative sampling -> deterministic jax PRNG
    neg_key = jax.random.key(42)
    neg_object_entity = jax.random.randint(neg_key, subject_entity.shape, 0, ind_table.shape[0], dtype=jnp.int32)
    out1 = jnp.take(role_table, role, axis=0)
    subj_emb = jnp.take(ind_table, subject_entity, axis=0)
    obj_emb = jnp.take(ind_table, object_entity, axis=0)
    neg_emb = jnp.take(ind_table, neg_object_entity, axis=0)
    out2 = jnp.concatenate((subj_emb, obj_emb), axis=1)
    out3 = jnp.concatenate((subj_emb, neg_emb), axis=1)
    return (out1, out2, out3)

if __name__ == "__main__":
    import jax
    _d = setup_inputs()
    print(jax.jit(kernel)(*tuple(_d.values())))

</pallas_src>

<mosaic_0001>
#map = affine_map<(d0, d1) -> (0, 0)>
module attributes {stable_mosaic.version = 14 : i64} {
  func.func @gather_kernel(%arg0: i32, %arg1: i32, %arg2: memref<4x16384xi32, #tpu.memory_space<hbm>>, %arg3: memref<1015808x64xf32, #tpu.memory_space<hbm>>, %arg4: memref<100000x128xf32, #tpu.memory_space<hbm>>, %arg5: memref<16384x128xf32, #tpu.memory_space<hbm>>, %arg6: memref<16384x128xf32, #tpu.memory_space<hbm>>, %arg7: memref<16384x128xf32, #tpu.memory_space<hbm>>, %arg8: memref<2x4x128xi32, #tpu.memory_space<vmem>>, %arg9: memref<2x128x128xf32, #tpu.memory_space<vmem>>, %arg10: memref<2x128x64xf32, #tpu.memory_space<vmem>>, %arg11: memref<2x128x64xf32, #tpu.memory_space<vmem>>, %arg12: memref<2x128x64xf32, #tpu.memory_space<vmem>>, %arg13: memref<!tpu.dma_semaphore, #tpu.memory_space<semaphore_mem>>, %arg14: memref<!tpu.dma_semaphore, #tpu.memory_space<semaphore_mem>>, %arg15: memref<!tpu.dma_semaphore, #tpu.memory_space<semaphore_mem>>, %arg16: memref<!tpu.dma_semaphore, #tpu.memory_space<semaphore_mem>>) attributes {dimension_semantics = [#tpu.dimension_semantics<core_parallel>, #tpu.dimension_semantics<subcore_parallel>], iteration_bounds = array<i64: 2, 16>, scalar_prefetch = 0 : i64, scratch_operands = 9 : i64, tpu.core_type = #tpu.core_type<sc_vector_subcore>, window_params = [{transform_indices = #map}, {transform_indices = #map}, {transform_indices = #map}, {transform_indices = #map}, {transform_indices = #map}, {transform_indices = #map}]} {
    %mul3A = arith.constant 2 : i32
    %mul3A_0 = arith.muli %arg1, %mul3A : i32
    %add3A = arith.addi %mul3A_0, %arg0 : i32
    %mul3A_1 = arith.constant 512 : i32
    %mul3A_2 = arith.muli %add3A, %mul3A_1 : i32
    %add3A_3 = arith.constant 0 : i32
    %add3A_4 = arith.addi %mul3A_2, %add3A_3 : i32
    %run_scoped3A = arith.constant 0 : i32
    "tpu.region"() ({
      %run_scoped3A_970 = tpu.sem_alloc : memref<!tpu.dma_semaphore, #tpu.memory_space<semaphore_mem>>
      %dma_start3A_971 = arith.constant 0 : i32
      %dma_start3A_972 = arith.constant 0 : i32
      %dma_start3A_973 = tpu.memref_slice %arg8[%run_scoped3A, %dma_start3A_971, %dma_start3A_972] : memref<2x4x128xi32, #tpu.memory_space<vmem>> -> memref<1x4x128xi32, #tpu.memory_space<vmem>>
      %dma_start3A_974 = tpu.memref_squeeze %dma_start3A_973 : memref<1x4x128xi32, #tpu.memory_space<vmem>> -> memref<4x128xi32, #tpu.memory_space<vmem>>
      %dma_start3A_975 = arith.constant 0 : i32
      %dma_start3A_976 = tpu.memref_slice %arg2[%dma_start3A_975, %add3A_4] : memref<4x16384xi32, #tpu.memory_space<hbm>> -> memref<4x128xi32, #tpu.memory_space<hbm>>
      %dma_start3A_977 = arith.constant 0 : i32
      %dma_start3A_978 = arith.constant 0 : i32
      %dma_start3A_979 = tpu.memref_slice %arg8[%run_scoped3A, %dma_start3A_977, %dma_start3A_978] : memref<2x4x128xi32, #tpu.memory_space<vmem>> -> memref<1x4x128xi32, #tpu.memory_space<vmem>>
      %dma_start3A_980 = tpu.memref_squeeze %dma_start3A_979 : memref<1x4x128xi32, #tpu.memory_space<vmem>> -> memref<4x128xi32, #tpu.memory_space<vmem>>
      %dma_start3A_981 = arith.constant 0 : i32
      %dma_start3A_982 = tpu.memref_slice %arg2[%dma_start3A_981, %add3A_4] : memref<4x16384xi32, #tpu.memory_space<hbm>> -> memref<4x128xi32, #tpu.memory_space<hbm>>
      tpu.enqueue_dma source(%dma_start3A_982 : memref<4x128xi32, #tpu.memory_space<hbm>>) target(%dma_start3A_980 : memref<4x128xi32, #tpu.memory_space<vmem>>) target_semaphore(%run_scoped3A_970 : memref<!tpu.dma_semaphore, #tpu.memory_space<semaphore_mem>>)
      %dma_wait3A_983 = arith.constant 0 : i32
      %dma_wait3A_984 = arith.constant 0 : i32
      %dma_wait3A_985 = tpu.memref_slice %arg8[%run_scoped3A, %dma_wait3A_983, %dma_wait3A_984] : memref<2x4x128xi32, #tpu.memory_space<vmem>> -> memref<1x4x128xi32, #tpu.memory_space<vmem>>
      %dma_wait3A_986 = tpu.memref_squeeze %dma_wait3A_985 : memref<1x4x128xi32, #tpu.memory_space<vmem>> -> memref<4x128xi32, #tpu.memory_space<vmem>>
      %dma_wait3A_987 = arith.constant 0 : i32
      %dma_wait3A_988 = tpu.memref_slice %arg2[%dma_wait3A_987, %add3A_4] : memref<4x16384xi32, #tpu.memory_space<hbm>> -> memref<4x128xi32, #tpu.memory_space<hbm>>
      %dma_wait3A_989 = arith.constant 0 : i32
      %dma_wait3A_990 = arith.constant 0 : i32
      %dma_wait3A_991 = tpu.memref_slice %arg8[%run_scoped3A, %dma_wait3A_989, %dma_wait3A_990] : memref<2x4x128xi32, #tpu.memory_space<vmem>> -> memref<1x4x128xi32, #tpu.memory_space<vmem>>
      %dma_wait3A_992 = tpu.memref_squeeze %dma_wait3A_991 : memref<1x4x128xi32, #tpu.memory_space<vmem>> -> memref<4x128xi32, #tpu.memory_space<vmem>>
      %dma_wait3A_993 = arith.constant 0 : i32
      %dma_wait3A_994 = tpu.memref_slice %arg2[%dma_wait3A_993, %add3A_4] : memref<4x16384xi32, #tpu.memory_space<hbm>> -> memref<4x128xi32, #tpu.memory_space<hbm>>
      tpu.wait_dma2 semaphore(%run_scoped3A_970 : memref<!tpu.dma_semaphore, #tpu.memory_space<semaphore_mem>>) src(%dma_wait3A_994 : memref<4x128xi32, #tpu.memory_space<hbm>>) dst(%dma_wait3A_992 : memref<4x128xi32, #tpu.memory_space<vmem>>)
      tpu.yield
    }) : () -> ()
    %dma_start3A = arith.constant 0 : i32
    %dma_start3A_5 = arith.constant 0 : i32
    %dma_start3A_6 = arith.constant 0 : i32
    %dma_start3A_7 = arith.constant 0 : i32
    %dma_start3A_8 = arith.constant 0 : i32
    %dma_start3A_9 = tpu.memref_slice %arg10[%dma_start3A_6, %dma_start3A_7, %dma_start3A_8] : memref<2x128x64xf32, #tpu.memory_space<vmem>> -> memref<1x128x64xf32, #tpu.memory_space<vmem>>
    %dma_start3A_10 = tpu.memref_squeeze %dma_start3A_9 : memref<1x128x64xf32, #tpu.memory_space<vmem>> -> memref<128x64xf32, #tpu.memory_space<vmem>>
    %dma_start3A_11 = arith.constant 0 : i32
    %dma_start3A_12 = tpu.memref_slice %arg8[%dma_start3A, %dma_start3A_5, %dma_start3A_11] : memref<2x4x128xi32, #tpu.memory_space<vmem>> -> memref<1x1x128xi32, #tpu.memory_space<vmem>>
    %dma_start3A_13 = tpu.memref_squeeze %dma_start3A_12 : memref<1x1x128xi32, #tpu.memory_space<vmem>> -> memref<128xi32, #tpu.memory_space<vmem>>
    %dma_start3A_14 = arith.constant 0 : i32
    %dma_start3A_15 = arith.constant 0 : i32
    %dma_start3A_16 = tpu.memref_slice %arg3[%dma_start3A_14, %dma_start3A_15] : memref<1015808x64xf32, #tpu.memory_space<hbm>> -> memref<1015808x64xf32, #tpu.memory_space<hbm>>
    tpu.enqueue_indirect_dma source(%dma_start3A_16 : memref<1015808x64xf32, #tpu.memory_space<hbm>>) target(%dma_start3A_10 : memref<128x64xf32, #tpu.memory_space<vmem>>) offsets(%dma_start3A_13 : memref<128xi32, #tpu.memory_space<vmem>>) semaphore(%arg13 : memref<!tpu.dma_semaphore, #tpu.memory_space<semaphore_mem>>)
    %dma_start3A_17 = arith.constant 0 : i32
    %dma_start3A_18 = arith.constant 1 : i32
    %dma_start3A_19 = arith.constant 0 : i32
    %dma_start3A_20 = arith.constant 0 : i32
    %dma_start3A_21 = arith.constant 0 : i32
    %dma_start3A_22 = tpu.memref_slice %arg11[%dma_start3A_19, %dma_start3A_20, %dma_start3A_21] : memref<2x128x64xf32, #tpu.memory_space<vmem>> -> memref<1x128x64xf32, #tpu.memory_space<vmem>>
    %dma_start3A_23 = tpu.memref_squeeze %dma_start3A_22 : memref<1x128x64xf32, #tpu.memory_space<vmem>> -> memref<128x64xf32, #tpu.memory_space<vmem>>
    %dma_start3A_24 = arith.constant 0 : i32
    %dma_start3A_25 = tpu.memref_slice %arg8[%dma_start3A_17, %dma_start3A_18, %dma_start3A_24] : memref<2x4x128xi32, #tpu.memory_space<vmem>> -> memref<1x1x128xi32, #tpu.memory_space<vmem>>
    %dma_start3A_26 = tpu.memref_squeeze %dma_start3A_25 : memref<1x1x128xi32, #tpu.memory_space<vmem>> -> memref<128xi32, #tpu.memory_space<vmem>>
    %dma_start3A_27 = arith.constant 0 : i32
    %dma_start3A_28 = arith.constant 0 : i32
    %dma_start3A_29 = tpu.memref_slice %arg3[%dma_start3A_27, %dma_start3A_28] : memref<1015808x64xf32, #tpu.memory_space<hbm>> -> memref<1015808x64xf32, #tpu.memory_space<hbm>>
    tpu.enqueue_indirect_dma source(%dma_start3A_29 : memref<1015808x64xf32, #tpu.memory_space<hbm>>) target(%dma_start3A_23 : memref<128x64xf32, #tpu.memory_space<vmem>>) offsets(%dma_start3A_26 : memref<128xi32, #tpu.memory_space<vmem>>) semaphore(%arg13 : memref<!tpu.dma_semaphore, #tpu.memory_space<semaphore_mem>>)
    %dma_start3A_30 = arith.constant 0 : i32
    %dma_start3A_31 = arith.constant 2 : i32
    %dma_start3A_32 = arith.constant 0 : i32
    %dma_start3A_33 = arith.constant 0 : i32
    %dma_start3A_34 = arith.constant 0 : i32
    %dma_start3A_35 = tpu.memref_slice %arg12[%dma_start3A_32, %dma_start3A_33, %dma_start3A_34] : memref<2x128x64xf32, #tpu.memory_space<vmem>> -> memref<1x128x64xf32, #tpu.memory_space<vmem>>
    %dma_start3A_36 = tpu.memref_squeeze %dma_start3A_35 : memref<1x128x64xf32, #tpu.memory_space<vmem>> -> memref<128x64xf32, #tpu.memory_space<vmem>>
    %dma_start3A_37 = arith.constant 0 : i32
    %dma_start3A_38 = tpu.memref_slice %arg8[%dma_start3A_30, %dma_start3A_31, %dma_start3A_37] : memref<2x4x128xi32, #tpu.memory_space<vmem>> -> memref<1x1x128xi32, #tpu.memory_space<vmem>>
    %dma_start3A_39 = tpu.memref_squeeze %dma_start3A_38 : memref<1x1x128xi32, #tpu.memory_space<vmem>> -> memref<128xi32, #tpu.memory_space<vmem>>
    %dma_start3A_40 = arith.constant 0 : i32
    %dma_start3A_41 = arith.constant 0 : i32
    %dma_start3A_42 = tpu.memref_slice %arg3[%dma_start3A_40, %dma_start3A_41] : memref<1015808x64xf32, #tpu.memory_space<hbm>> -> memref<1015808x64xf32, #tpu.memory_space<hbm>>
    tpu.enqueue_indirect_dma source(%dma_start3A_42 : memref<1015808x64xf32, #tpu.memory_space<hbm>>) target(%dma_start3A_36 : memref<128x64xf32, #tpu.memory_space<vmem>>) offsets(%dma_start3A_39 : memref<128xi32, #tpu.memory_space<vmem>>) semaphore(%arg13 : memref<!tpu.dma_semaphore, #tpu.memory_space<semaphore_mem>>)
    %dma_start3A_43 = arith.constant 0 : i32
    %dma_start3A_44 = arith.constant 3 : i32
    %dma_start3A_45 = arith.constant 0 : i32
    %dma_start3A_46 = arith.constant 0 : i32
    %dma_start3A_47 = arith.constant 0 : i32
    %dma_start3A_48 = tpu.memref_slice %arg9[%dma_start3A_45, %dma_start3A_46, %dma_start3A_47] : memref<2x128x128xf32, #tpu.memory_space<vmem>> -> memref<1x128x128xf32, #tpu.memory_space<vmem>>
    %dma_start3A_49 = tpu.memref_squeeze %dma_start3A_48 : memref<1x128x128xf32, #tpu.memory_space<vmem>> -> memref<128x128xf32, #tpu.memory_space<vmem>>
    %dma_start3A_50 = arith.constant 0 : i32
    %dma_start3A_51 = tpu.memref_slice %arg8[%dma_start3A_43, %dma_start3A_44, %dma_start3A_50] : memref<2x4x128xi32, #tpu.memory_space<vmem>> -> memref<1x1x128xi32, #tpu.memory_space<vmem>>
    %dma_start3A_52 = tpu.memref_squeeze %dma_start3A_51 : memref<1x1x128xi32, #tpu.memory_space<vmem>> -> memref<128xi32, #tpu.memory_space<vmem>>
    %dma_start3A_53 = arith.constant 0 : i32
    %dma_start3A_54 = arith.constant 0 : i32
    %dma_start3A_55 = tpu.memref_slice %arg4[%dma_start3A_53, %dma_start3A_54] : memref<100000x128xf32, #tpu.memory_space<hbm>> -> memref<100000x128xf32, #tpu.memory_space<hbm>>
    tpu.enqueue_indirect_dma source(%dma_start3A_55 : memref<100000x128xf32, #tpu.memory_space<hbm>>) target(%dma_start3A_49 : memref<128x128xf32, #tpu.memory_space<vmem>>) offsets(%dma_start3A_52 : memref<128xi32, #tpu.memory_space<vmem>>) semaphore(%arg13 : memref<!tpu.dma_semaphore, #tpu.memory_space<semaphore_mem>>)
    %mul3A_56 = arith.constant 512 : i32
    %mul3A_57 = arith.muli %add3A, %mul3A_56 : i32
    %add3A_58 = arith.constant 128 : i32
    %add3A_59 = arith.addi %mul3A_57, %add3A_58 : i32
    %run_scoped3A_60 = arith.constant 1 : i32
    "tpu.region"() ({
      %run_scoped3A_970 = tpu.sem_alloc : memref<!tpu.dma_semaphore, #tpu.memory_space<semaphore_mem>>
      %dma_start3A_971 = arith.constant 0 : i32
      %dma_start3A_972 = arith.constant 0 : i32
      %dma_start3A_973 = tpu.memref_slice %arg8[%run_scoped3A_60, %dma_start3A_971, %dma_start3A_972] : memref<2x4x128xi32, #tpu.memory_space<vmem>> -> memref<1x4x128xi32, #tpu.memory_space<vmem>>
      %dma_start3A_974 = tpu.memref_squeeze %dma_start3A_973 : memref<1x4x128xi32, #tpu.memory_space<vmem>> -> memref<4x128xi32, #tpu.memory_space<vmem>>
      %dma_start3A_975 = arith.constant 0 : i32
      %dma_start3A_976 = tpu.memref_slice %arg2[%dma_start3A_975, %add3A_59] : memref<4x16384xi32, #tpu.memory_space<hbm>> -> memref<4x128xi32, #tpu.memory_space<hbm>>
      %dma_start3A_977 = arith.constant 0 : i32
      %dma_start3A_978 = arith.constant 0 : i32
      %dma_start3A_979 = tpu.memref_slice %arg8[%run_scoped3A_60, %dma_start3A_977, %dma_start3A_978] : memref<2x4x128xi32, #tpu.memory_space<vmem>> -> memref<1x4x128xi32, #tpu.memory_space<vmem>>
      %dma_start3A_980 = tpu.memref_squeeze %dma_start3A_979 : memref<1x4x128xi32, #tpu.memory_space<vmem>> -> memref<4x128xi32, #tpu.memory_space<vmem>>
      %dma_start3A_981 = arith.constant 0 : i32
      %dma_start3A_982 = tpu.memref_slice %arg2[%dma_start3A_981, %add3A_59] : memref<4x16384xi32, #tpu.memory_space<hbm>> -> memref<4x128xi32, #tpu.memory_space<hbm>>
      tpu.enqueue_dma source(%dma_start3A_982 : memref<4x128xi32, #tpu.memory_space<hbm>>) target(%dma_start3A_980 : memref<4x128xi32, #tpu.memory_space<vmem>>) target_semaphore(%run_scoped3A_970 : memref<!tpu.dma_semaphore, #tpu.memory_space<semaphore_mem>>)
      %dma_wait3A_983 = arith.constant 0 : i32
      %dma_wait3A_984 = arith.constant 0 : i32
      %dma_wait3A_985 = tpu.memref_slice %arg8[%run_scoped3A_60, %dma_wait3A_983, %dma_wait3A_984] : memref<2x4x128xi32, #tpu.memory_space<vmem>> -> memref<1x4x128xi32, #tpu.memory_space<vmem>>
      %dma_wait3A_986 = tpu.memref_squeeze %dma_wait3A_985 : memref<1x4x128xi32, #tpu.memory_space<vmem>> -> memref<4x128xi32, #tpu.memory_space<vmem>>
      %dma_wait3A_987 = arith.constant 0 : i32
      %dma_wait3A_988 = tpu.memref_slice %arg2[%dma_wait3A_987, %add3A_59] : memref<4x16384xi32, #tpu.memory_space<hbm>> -> memref<4x128xi32, #tpu.memory_space<hbm>>
      %dma_wait3A_989 = arith.constant 0 : i32
      %dma_wait3A_990 = arith.constant 0 : i32
      %dma_wait3A_991 = tpu.memref_slice %arg8[%run_scoped3A_60, %dma_wait3A_989, %dma_wait3A_990] : memref<2x4x128xi32, #tpu.memory_space<vmem>> -> memref<1x4x128xi32, #tpu.memory_space<vmem>>
      %dma_wait3A_992 = tpu.memref_squeeze %dma_wait3A_991 : memref<1x4x128xi32, #tpu.memory_space<vmem>> -> memref<4x128xi32, #tpu.memory_space<vmem>>
      %dma_wait3A_993 = arith.constant 0 : i32
      %dma_wait3A_994 = tpu.memref_slice %arg2[%dma_wait3A_993, %add3A_59] : memref<4x16384xi32, #tpu.memory_space<hbm>> -> memref<4x128xi32, #tpu.memory_space<hbm>>
      tpu.wait_dma2 semaphore(%run_scoped3A_970 : memref<!tpu.dma_semaphore, #tpu.memory_space<semaphore_mem>>) src(%dma_wait3A_994 : memref<4x128xi32, #tpu.memory_space<hbm>>) dst(%dma_wait3A_992 : memref<4x128xi32, #tpu.memory_space<vmem>>)
      tpu.yield
    }) : () -> ()
    %dma_start3A_61 = arith.constant 1 : i32
    %dma_start3A_62 = arith.constant 0 : i32
    %dma_start3A_63 = arith.constant 1 : i32
    %dma_start3A_64 = arith.constant 0 : i32
    %dma_start3A_65 = arith.constant 0 : i32
    %dma_start3A_66 = tpu.memref_slice %arg10[%dma_start3A_63, %dma_start3A_64, %dma_start3A_65] : memref<2x128x64xf32, #tpu.memory_space<vmem>> -> memref<1x128x64xf32, #tpu.memory_space<vmem>>
    %dma_start3A_67 = tpu.memref_squeeze %dma_start3A_66 : memref<1x128x64xf32, #tpu.memory_space<vmem>> -> memref<128x64xf32, #tpu.memory_space<vmem>>
    %dma_start3A_68 = arith.constant 0 : i32
    %dma_start3A_69 = tpu.memref_slice %arg8[%dma_start3A_61, %dma_start3A_62, %dma_start3A_68] : memref<2x4x128xi32, #tpu.memory_space<vmem>> -> memref<1x1x128xi32, #tpu.memory_space<vmem>>
    %dma_start3A_70 = tpu.memref_squeeze %dma_start3A_69 : memref<1x1x128xi32, #tpu.memory_space<vmem>> -> memref<128xi32, #tpu.memory_space<vmem>>
    %dma_start3A_71 = arith.constant 0 : i32
    %dma_start3A_72 = arith.constant 0 : i32
    %dma_start3A_73 = tpu.memref_slice %arg3[%dma_start3A_71, %dma_start3A_72] : memref<1015808x64xf32, #tpu.memory_space<hbm>> -> memref<1015808x64xf32, #tpu.memory_space<hbm>>
    tpu.enqueue_indirect_dma source(%dma_start3A_73 : memref<1015808x64xf32, #tpu.memory_space<hbm>>) target(%dma_start3A_67 : memref<128x64xf32, #tpu.memory_space<vmem>>) offsets(%dma_start3A_70 : memref<128xi32, #tpu.memory_space<vmem>>) semaphore(%arg14 : memref<!tpu.dma_semaphore, #tpu.memory_space<semaphore_mem>>)
    %dma_start3A_74 = arith.constant 1 : i32
    %dma_start3A_75 = arith.constant 1 : i32
    %dma_start3A_76 = arith.constant 1 : i32
    %dma_start3A_77 = arith.constant 0 : i32
    %dma_start3A_78 = arith.constant 0 : i32
    %dma_start3A_79 = tpu.memref_slice %arg11[%dma_start3A_76, %dma_start3A_77, %dma_start3A_78] : memref<2x128x64xf32, #tpu.memory_space<vmem>> -> memref<1x128x64xf32, #tpu.memory_space<vmem>>
    %dma_start3A_80 = tpu.memref_squeeze %dma_start3A_79 : memref<1x128x64xf32, #tpu.memory_space<vmem>> -> memref<128x64xf32, #tpu.memory_space<vmem>>
    %dma_start3A_81 = arith.constant 0 : i32
    %dma_start3A_82 = tpu.memref_slice %arg8[%dma_start3A_74, %dma_start3A_75, %dma_start3A_81] : memref<2x4x128xi32, #tpu.memory_space<vmem>> -> memref<1x1x128xi32, #tpu.memory_space<vmem>>
    %dma_start3A_83 = tpu.memref_squeeze %dma_start3A_82 : memref<1x1x128xi32, #tpu.memory_space<vmem>> -> memref<128xi32, #tpu.memory_space<vmem>>
    %dma_start3A_84 = arith.constant 0 : i32
    %dma_start3A_85 = arith.constant 0 : i32
    %dma_start3A_86 = tpu.memref_slice %arg3[%dma_start3A_84, %dma_start3A_85] : memref<1015808x64xf32, #tpu.memory_space<hbm>> -> memref<1015808x64xf32, #tpu.memory_space<hbm>>
    tpu.enqueue_indirect_dma source(%dma_start3A_86 : memref<1015808x64xf32, #tpu.memory_space<hbm>>) target(%dma_start3A_80 : memref<128x64xf32, #tpu.memory_space<vmem>>) offsets(%dma_start3A_83 : memref<128xi32, #tpu.memory_space<vmem>>) semaphore(%arg14 : memref<!tpu.dma_semaphore, #tpu.memory_space<semaphore_mem>>)
    %dma_start3A_87 = arith.constant 1 : i32
    %dma_start3A_88 = arith.constant 2 : i32
    %dma_start3A_89 = arith.constant 1 : i32
    %dma_start3A_90 = arith.constant 0 : i32
    %dma_start3A_91 = arith.constant 0 : i32
    %dma_start3A_92 = tpu.memref_slice %arg12[%dma_start3A_89, %dma_start3A_90, %dma_start3A_91] : memref<2x128x64xf32, #tpu.memory_space<vmem>> -> memref<1x128x64xf32, #tpu.memory_space<vmem>>
    %dma_start3A_93 = tpu.memref_squeeze %dma_start3A_92 : memref<1x128x64xf32, #tpu.memory_space<vmem>> -> memref<128x64xf32, #tpu.memory_space<vmem>>
    %dma_start3A_94 = arith.constant 0 : i32
    %dma_start3A_95 = tpu.memref_slice %arg8[%dma_start3A_87, %dma_start3A_88, %dma_start3A_94] : memref<2x4x128xi32, #tpu.memory_space<vmem>> -> memref<1x1x128xi32, #tpu.memory_space<vmem>>
    %dma_start3A_96 = tpu.memref_squeeze %dma_start3A_95 : memref<1x1x128xi32, #tpu.memory_space<vmem>> -> memref<128xi32, #tpu.memory_space<vmem>>
    %dma_start3A_97 = arith.constant 0 : i32
    %dma_start3A_98 = arith.constant 0 : i32
    %dma_start3A_99 = tpu.memref_slice %arg3[%dma_start3A_97, %dma_start3A_98] : memref<1015808x64xf32, #tpu.memory_space<hbm>> -> memref<1015808x64xf32, #tpu.memory_space<hbm>>
    tpu.enqueue_indirect_dma source(%dma_start3A_99 : memref<1015808x64xf32, #tpu.memory_space<hbm>>) target(%dma_start3A_93 : memref<128x64xf32, #tpu.memory_space<vmem>>) offsets(%dma_start3A_96 : memref<128xi32, #tpu.memory_space<vmem>>) semaphore(%arg14 : memref<!tpu.dma_semaphore, #tpu.memory_space<semaphore_mem>>)
    %dma_start3A_100 = arith.constant 1 : i32
    %dma_start3A_101 = arith.constant 3 : i32
    %dma_start3A_102 = arith.constant 1 : i32
    %dma_start3A_103 = arith.constant 0 : i32
    %dma_start3A_104 = arith.constant 0 : i32
    %dma_start3A_105 = tpu.memref_slice %arg9[%dma_start3A_102, %dma_start3A_103, %dma_start3A_104] : memref<2x128x128xf32, #tpu.memory_space<vmem>> -> memref<1x128x128xf32, #tpu.memory_space<vmem>>
    %dma_start3A_106 = tpu.memref_squeeze %dma_start3A_105 : memref<1x128x128xf32, #tpu.memory_space<vmem>> -> memref<128x128xf32, #tpu.memory_space<vmem>>
    %dma_start3A_107 = arith.constant 0 : i32
    %dma_start3A_108 = tpu.memref_slice %arg8[%dma_start3A_100, %dma_start3A_101, %dma_start3A_107] : memref<2x4x128xi32, #tpu.memory_space<vmem>> -> memref<1x1x128xi32, #tpu.memory_space<vmem>>
    %dma_start3A_109 = tpu.memref_squeeze %dma_start3A_108 : memref<1x1x128xi32, #tpu.memory_space<vmem>> -> memref<128xi32, #tpu.memory_space<vmem>>
    %dma_start3A_110 = arith.constant 0 : i32
    %dma_start3A_111 = arith.constant 0 : i32
    %dma_start3A_112 = tpu.memref_slice %arg4[%dma_start3A_110, %dma_start3A_111] : memref<100000x128xf32, #tpu.memory_space<hbm>> -> memref<100000x128xf32, #tpu.memory_space<hbm>>
    tpu.enqueue_indirect_dma source(%dma_start3A_112 : memref<100000x128xf32, #tpu.memory_space<hbm>>) target(%dma_start3A_106 : memref<128x128xf32, #tpu.memory_space<vmem>>) offsets(%dma_start3A_109 : memref<128xi32, #tpu.memory_space<vmem>>) semaphore(%arg14 : memref<!tpu.dma_semaphore, #tpu.memory_space<semaphore_mem>>)
    %mul3A_113 = arith.constant 512 : i32
    %mul3A_114 = arith.muli %add3A, %mul3A_113 : i32
    %add3A_115 = arith.constant 0 : i32
    %add3A_116 = arith.addi %mul3A_114, %add3A_115 : i32
    %dma_wait3A = arith.constant 0 : i32
    %dma_wait3A_117 = arith.constant 0 : i32
    %dma_wait3A_118 = arith.constant 0 : i32
    %dma_wait3A_119 = arith.constant 0 : i32
    %dma_wait3A_120 = arith.constant 0 : i32
    %dma_wait3A_121 = tpu.memref_slice %arg10[%dma_wait3A_118, %dma_wait3A_119, %dma_wait3A_120] : memref<2x128x64xf32, #tpu.memory_space<vmem>> -> memref<1x128x64xf32, #tpu.memory_space<vmem>>
    %dma_wait3A_122 = tpu.memref_squeeze %dma_wait3A_121 : memref<1x128x64xf32, #tpu.memory_space<vmem>> -> memref<128x64xf32, #tpu.memory_space<vmem>>
    %dma_wait3A_123 = arith.constant 0 : i32
    %dma_wait3A_124 = tpu.memref_slice %arg8[%dma_wait3A, %dma_wait3A_117, %dma_wait3A_123] : memref<2x4x128xi32, #tpu.memory_space<vmem>> -> memref<1x1x128xi32, #tpu.memory_space<vmem>>
    %dma_wait3A_125 = tpu.memref_squeeze %dma_wait3A_124 : memref<1x1x128xi32, #tpu.memory_space<vmem>> -> memref<128xi32, #tpu.memory_space<vmem>>
    %dma_wait3A_126 = arith.constant 0 : i32
    %dma_wait3A_127 = arith.constant 0 : i32
    %dma_wait3A_128 = tpu.memref_slice %arg3[%dma_wait3A_126, %dma_wait3A_127] : memref<1015808x64xf32, #tpu.memory_space<hbm>> -> memref<1015808x64xf32, #tpu.memory_space<hbm>>
    tpu.wait_indirect_dma semaphore(%arg13 : memref<!tpu.dma_semaphore, #tpu.memory_space<semaphore_mem>>) src(%dma_wait3A_128 : memref<1015808x64xf32, #tpu.memory_space<hbm>>) dst(%dma_wait3A_122 : memref<128x64xf32, #tpu.memory_space<vmem>>)
    %dma_wait3A_129 = arith.constant 0 : i32
    %dma_wait3A_130 = arith.constant 1 : i32
    %dma_wait3A_131 = arith.constant 0 : i32
    %dma_wait3A_132 = arith.constant 0 : i32
    %dma_wait3A_133 = arith.constant 0 : i32
    %dma_wait3A_134 = tpu.memref_slice %arg11[%dma_wait3A_131, %dma_wait3A_132, %dma_wait3A_133] : memref<2x128x64xf32, #tpu.memory_space<vmem>> -> memref<1x128x64xf32, #tpu.memory_space<vmem>>
    %dma_wait3A_135 = tpu.memref_squeeze %dma_wait3A_134 : memref<1x128x64xf32, #tpu.memory_space<vmem>> -> memref<128x64xf32, #tpu.memory_space<vmem>>
    %dma_wait3A_136 = arith.constant 0 : i32
    %dma_wait3A_137 = tpu.memref_slice %arg8[%dma_wait3A_129, %dma_wait3A_130, %dma_wait3A_136] : memref<2x4x128xi32, #tpu.memory_space<vmem>> -> memref<1x1x128xi32, #tpu.memory_space<vmem>>
    %dma_wait3A_138 = tpu.memref_squeeze %dma_wait3A_137 : memref<1x1x128xi32, #tpu.memory_space<vmem>> -> memref<128xi32, #tpu.memory_space<vmem>>
    %dma_wait3A_139 = arith.constant 0 : i32
    %dma_wait3A_140 = arith.constant 0 : i32
    %dma_wait3A_141 = tpu.memref_slice %arg3[%dma_wait3A_139, %dma_wait3A_140] : memref<1015808x64xf32, #tpu.memory_space<hbm>> -> memref<1015808x64xf32, #tpu.memory_space<hbm>>
    tpu.wait_indirect_dma semaphore(%arg13 : memref<!tpu.dma_semaphore, #tpu.memory_space<semaphore_mem>>) src(%dma_wait3A_141 : memref<1015808x64xf32, #tpu.memory_space<hbm>>) dst(%dma_wait3A_135 : memref<128x64xf32, #tpu.memory_space<vmem>>)
    %dma_wait3A_142 = arith.constant 0 : i32
    %dma_wait3A_143 = arith.constant 2 : i32
    %dma_wait3A_144 = arith.constant 0 : i32
    %dma_wait3A_145 = arith.constant 0 : i32
    %dma_wait3A_146 = arith.constant 0 : i32
    %dma_wait3A_147 = tpu.memref_slice %arg12[%dma_wait3A_144, %dma_wait3A_145, %dma_wait3A_146] : memref<2x128x64xf32, #tpu.memory_space<vmem>> -> memref<1x128x64xf32, #tpu.memory_space<vmem>>
    %dma_wait3A_148 = tpu.memref_squeeze %dma_wait3A_147 : memref<1x128x64xf32, #tpu.memory_space<vmem>> -> memref<128x64xf32, #tpu.memory_space<vmem>>
    %dma_wait3A_149 = arith.constant 0 : i32
    %dma_wait3A_150 = tpu.memref_slice %arg8[%dma_wait3A_142, %dma_wait3A_143, %dma_wait3A_149] : memref<2x4x128xi32, #tpu.memory_space<vmem>> -> memref<1x1x128xi32, #tpu.memory_space<vmem>>
    %dma_wait3A_151 = tpu.memref_squeeze %dma_wait3A_150 : memref<1x1x128xi32, #tpu.memory_space<vmem>> -> memref<128xi32, #tpu.memory_space<vmem>>
    %dma_wait3A_152 = arith.constant 0 : i32
    %dma_wait3A_153 = arith.constant 0 : i32
    %dma_wait3A_154 = tpu.memref_slice %arg3[%dma_wait3A_152, %dma_wait3A_153] : memref<1015808x64xf32, #tpu.memory_space<hbm>> -> memref<1015808x64xf32, #tpu.memory_space<hbm>>
    tpu.wait_indirect_dma semaphore(%arg13 : memref<!tpu.dma_semaphore, #tpu.memory_space<semaphore_mem>>) src(%dma_wait3A_154 : memref<1015808x64xf32, #tpu.memory_space<hbm>>) dst(%dma_wait3A_148 : memref<128x64xf32, #tpu.memory_space<vmem>>)
    %dma_wait3A_155 = arith.constant 0 : i32
    %dma_wait3A_156 = arith.constant 3 : i32
    %dma_wait3A_157 = arith.constant 0 : i32
    %dma_wait3A_158 = arith.constant 0 : i32
    %dma_wait3A_159 = arith.constant 0 : i32
    %dma_wait3A_160 = tpu.memref_slice %arg9[%dma_wait3A_157, %dma_wait3A_158, %dma_wait3A_159] : memref<2x128x128xf32, #tpu.memory_space<vmem>> -> memref<1x128x128xf32, #tpu.memory_space<vmem>>
    %dma_wait3A_161 = tpu.memref_squeeze %dma_wait3A_160 : memref<1x128x128xf32, #tpu.memory_space<vmem>> -> memref<128x128xf32, #tpu.memory_space<vmem>>
    %dma_wait3A_162 = arith.constant 0 : i32
    %dma_wait3A_163 = tpu.memref_slice %arg8[%dma_wait3A_155, %dma_wait3A_156, %dma_wait3A_162] : memref<2x4x128xi32, #tpu.memory_space<vmem>> -> memref<1x1x128xi32, #tpu.memory_space<vmem>>
    %dma_wait3A_164 = tpu.memref_squeeze %dma_wait3A_163 : memref<1x1x128xi32, #tpu.memory_space<vmem>> -> memref<128xi32, #tpu.memory_space<vmem>>
    %dma_wait3A_165 = arith.constant 0 : i32
    %dma_wait3A_166 = arith.constant 0 : i32
    %dma_wait3A_167 = tpu.memref_slice %arg4[%dma_wait3A_165, %dma_wait3A_166] : memref<100000x128xf32, #tpu.memory_space<hbm>> -> memref<100000x128xf32, #tpu.memory_space<hbm>>
    tpu.wait_indirect_dma semaphore(%arg13 : memref<!tpu.dma_semaphore, #tpu.memory_space<semaphore_mem>>) src(%dma_wait3A_167 : memref<100000x128xf32, #tpu.memory_space<hbm>>) dst(%dma_wait3A_161 : memref<128x128xf32, #tpu.memory_space<vmem>>)
    %dma_start3A_168 = arith.constant 0 : i32
    %dma_start3A_169 = arith.constant 0 : i32
    %dma_start3A_170 = arith.constant 0 : i32
    %dma_start3A_171 = tpu.memref_slice %arg9[%dma_start3A_168, %dma_start3A_169, %dma_start3A_170] : memref<2x128x128xf32, #tpu.memory_space<vmem>> -> memref<1x128x128xf32, #tpu.memory_space<vmem>>
    %dma_start3A_172 = tpu.memref_squeeze %dma_start3A_171 : memref<1x128x128xf32, #tpu.memory_space<vmem>> -> memref<128x128xf32, #tpu.memory_space<vmem>>
    %dma_start3A_173 = arith.constant 0 : i32
    %dma_start3A_174 = tpu.memref_slice %arg5[%add3A_116, %dma_start3A_173] : memref<16384x128xf32, #tpu.memory_space<hbm>> -> memref<128x128xf32, #tpu.memory_space<hbm>>
    %dma_start3A_175 = arith.constant 0 : i32
    %dma_start3A_176 = tpu.memref_slice %arg5[%add3A_116, %dma_start3A_175] : memref<16384x128xf32, #tpu.memory_space<hbm>> -> memref<128x128xf32, #tpu.memory_space<hbm>>
    %dma_start3A_177 = arith.constant 0 : i32
    %dma_start3A_178 = arith.constant 0 : i32
    %dma_start3A_179 = tpu.memref_slice %arg9[%dma_start3A_168, %dma_start3A_177, %dma_start3A_178] : memref<2x128x128xf32, #tpu.memory_space<vmem>> -> memref<1x128x128xf32, #tpu.memory_space<vmem>>
    %dma_start3A_180 = tpu.memref_squeeze %dma_start3A_179 : memref<1x128x128xf32, #tpu.memory_space<vmem>> -> memref<128x128xf32, #tpu.memory_space<vmem>>
    tpu.enqueue_dma source(%dma_start3A_180 : memref<128x128xf32, #tpu.memory_space<vmem>>) target(%dma_start3A_176 : memref<128x128xf32, #tpu.memory_space<hbm>>) target_semaphore(%arg15 : memref<!tpu.dma_semaphore, #tpu.memory_space<semaphore_mem>>)
    %dma_start3A_181 = arith.constant 0 : i32
    %dma_start3A_182 = arith.constant 0 : i32
    %dma_start3A_183 = arith.constant 0 : i32
    %dma_start3A_184 = tpu.memref_slice %arg10[%dma_start3A_181, %dma_start3A_182, %dma_start3A_183] : memref<2x128x64xf32, #tpu.memory_space<vmem>> -> memref<1x128x64xf32, #tpu.memory_space<vmem>>
    %dma_start3A_185 = tpu.memref_squeeze %dma_start3A_184 : memref<1x128x64xf32, #tpu.memory_space<vmem>> -> memref<128x64xf32, #tpu.memory_space<vmem>>
    %dma_start3A_186 = arith.constant 0 : i32
    %dma_start3A_187 = tpu.memref_slice %arg6[%add3A_116, %dma_start3A_186] : memref<16384x128xf32, #tpu.memory_space<hbm>> -> memref<128x64xf32, #tpu.memory_space<hbm>>
    %dma_start3A_188 = arith.constant 0 : i32
    %dma_start3A_189 = tpu.memref_slice %arg6[%add3A_116, %dma_start3A_188] : memref<16384x128xf32, #tpu.memory_space<hbm>> -> memref<128x64xf32, #tpu.memory_space<hbm>>
    %dma_start3A_190 = arith.constant 0 : i32
    %dma_start3A_191 = arith.constant 0 : i32
    %dma_start3A_192 = tpu.memref_slice %arg10[%dma_start3A_181, %dma_start3A_190, %dma_start3A_191] : memref<2x128x64xf32, #tpu.memory_space<vmem>> -> memref<1x128x64xf32, #tpu.memory_space<vmem>>
    %dma_start3A_193 = tpu.memref_squeeze %dma_start3A_192 : memref<1x128x64xf32, #tpu.memory_space<vmem>> -> memref<128x64xf32, #tpu.memory_space<vmem>>
    tpu.enqueue_dma source(%dma_start3A_193 : memref<128x64xf32, #tpu.memory_space<vmem>>) target(%dma_start3A_189 : memref<128x64xf32, #tpu.memory_space<hbm>>) target_semaphore(%arg15 : memref<!tpu.dma_semaphore, #tpu.memory_space<semaphore_mem>>)
    %dma_start3A_194 = arith.constant 0 : i32
    %dma_start3A_195 = arith.constant 0 : i32
    %dma_start3A_196 = arith.constant 0 : i32
    %dma_start3A_197 = tpu.memref_slice %arg11[%dma_start3A_194, %dma_start3A_195, %dma_start3A_196] : memref<2x128x64xf32, #tpu.memory_space<vmem>> -> memref<1x128x64xf32, #tpu.memory_space<vmem>>
    %dma_start3A_198 = tpu.memref_squeeze %dma_start3A_197 : memref<1x128x64xf32, #tpu.memory_space<vmem>> -> memref<128x64xf32, #tpu.memory_space<vmem>>
    %dma_start3A_199 = arith.constant 64 : i32
    %dma_start3A_200 = tpu.memref_slice %arg6[%add3A_116, %dma_start3A_199] : memref<16384x128xf32, #tpu.memory_space<hbm>> -> memref<128x64xf32, #tpu.memory_space<hbm>>
    %dma_start3A_201 = arith.constant 64 : i32
    %dma_start3A_202 = tpu.memref_slice %arg6[%add3A_116, %dma_start3A_201] : memref<16384x128xf32, #tpu.memory_space<hbm>> -> memref<128x64xf32, #tpu.memory_space<hbm>>
    %dma_start3A_203 = arith.constant 0 : i32
    %dma_start3A_204 = arith.constant 0 : i32
    %dma_start3A_205 = tpu.memref_slice %arg11[%dma_start3A_194, %dma_start3A_203, %dma_start3A_204] : memref<2x128x64xf32, #tpu.memory_space<vmem>> -> memref<1x128x64xf32, #tpu.memory_space<vmem>>
    %dma_start3A_206 = tpu.memref_squeeze %dma_start3A_205 : memref<1x128x64xf32, #tpu.memory_space<vmem>> -> memref<128x64xf32, #tpu.memory_space<vmem>>
    tpu.enqueue_dma source(%dma_start3A_206 : memref<128x64xf32, #tpu.memory_space<vmem>>) target(%dma_start3A_202 : memref<128x64xf32, #tpu.memory_space<hbm>>) target_semaphore(%arg15 : memref<!tpu.dma_semaphore, #tpu.memory_space<semaphore_mem>>)
    %dma_start3A_207 = arith.constant 0 : i32
    %dma_start3A_208 = arith.constant 0 : i32
    %dma_start3A_209 = arith.constant 0 : i32
    %dma_start3A_210 = tpu.memref_slice %arg10[%dma_start3A_207, %dma_start3A_208, %dma_start3A_209] : memref<2x128x64xf32, #tpu.memory_space<vmem>> -> memref<1x128x64xf32, #tpu.memory_space<vmem>>
    %dma_start3A_211 = tpu.memref_squeeze %dma_start3A_210 : memref<1x128x64xf32, #tpu.memory_space<vmem>> -> memref<128x64xf32, #tpu.memory_space<vmem>>
    %dma_start3A_212 = arith.constant 0 : i32
    %dma_start3A_213 = tpu.memref_slice %arg7[%add3A_116, %dma_start3A_212] : memref<16384x128xf32, #tpu.memory_space<hbm>> -> memref<128x64xf32, #tpu.memory_space<hbm>>
    %dma_start3A_214 = arith.constant 0 : i32
    %dma_start3A_215 = tpu.memref_slice %arg7[%add3A_116, %dma_start3A_214] : memref<16384x128xf32, #tpu.memory_space<hbm>> -> memref<128x64xf32, #tpu.memory_space<hbm>>
    %dma_start3A_216 = arith.constant 0 : i32
    %dma_start3A_217 = arith.constant 0 : i32
    %dma_start3A_218 = tpu.memref_slice %arg10[%dma_start3A_207, %dma_start3A_216, %dma_start3A_217] : memref<2x128x64xf32, #tpu.memory_space<vmem>> -> memref<1x128x64xf32, #tpu.memory_space<vmem>>
    %dma_start3A_219 = tpu.memref_squeeze %dma_start3A_218 : memref<1x128x64xf32, #tpu.memory_space<vmem>> -> memref<128x64xf32, #tpu.memory_space<vmem>>
    tpu.enqueue_dma source(%dma_start3A_219 : memref<128x64xf32, #tpu.memory_space<vmem>>) target(%dma_start3A_215 : memref<128x64xf32, #tpu.memory_space<hbm>>) target_semaphore(%arg15 : memref<!tpu.dma_semaphore, #tpu.memory_space<semaphore_mem>>)
    %dma_start3A_220 = arith.constant 0 : i32
    %dma_start3A_221 = arith.constant 0 : i32
    %dma_start3A_222 = arith.constant 0 : i32
    %dma_start3A_223 = tpu.memref_slice %arg12[%dma_start3A_220, %dma_start3A_221, %dma_start3A_222] : memref<2x128x64xf32, #tpu.memory_space<vmem>> -> memref<1x128x64xf32, #tpu.memory_space<vmem>>
    %dma_start3A_224 = tpu.memref_squeeze %dma_start3A_223 : memref<1x128x64xf32, #tpu.memory_space<vmem>> -> memref<128x64xf32, #tpu.memory_space<vmem>>
    %dma_start3A_225 = arith.constant 64 : i32
    %dma_start3A_226 = tpu.memref_slice %arg7[%add3A_116, %dma_start3A_225] : memref<16384x128xf32, #tpu.memory_space<hbm>> -> memref<128x64xf32, #tpu.memory_space<hbm>>
    %dma_start3A_227 = arith.constant 64 : i32
    %dma_start3A_228 = tpu.memref_slice %arg7[%add3A_116, %dma_start3A_227] : memref<16384x128xf32, #tpu.memory_space<hbm>> -> memref<128x64xf32, #tpu.memory_space<hbm>>
    %dma_start3A_229 = arith.constant 0 : i32
    %dma_start3A_230 = arith.constant 0 : i32
    %dma_start3A_231 = tpu.memref_slice %arg12[%dma_start3A_220, %dma_start3A_229, %dma_start3A_230] : memref<2x128x64xf32, #tpu.memory_space<vmem>> -> memref<1x128x64xf32, #tpu.memory_space<vmem>>
    %dma_start3A_232 = tpu.memref_squeeze %dma_start3A_231 : memref<1x128x64xf32, #tpu.memory_space<vmem>> -> memref<128x64xf32, #tpu.memory_space<vmem>>
    tpu.enqueue_dma source(%dma_start3A_232 : memref<128x64xf32, #tpu.memory_space<vmem>>) target(%dma_start3A_228 : memref<128x64xf32, #tpu.memory_space<hbm>>) target_semaphore(%arg15 : memref<!tpu.dma_semaphore, #tpu.memory_space<semaphore_mem>>)
    %dma_wait3A_233 = arith.constant 0 : i32
    %dma_wait3A_234 = arith.constant 0 : i32
    %dma_wait3A_235 = arith.constant 0 : i32
    %dma_wait3A_236 = tpu.memref_slice %arg9[%dma_wait3A_233, %dma_wait3A_234, %dma_wait3A_235] : memref<2x128x128xf32, #tpu.memory_space<vmem>> -> memref<1x128x128xf32, #tpu.memory_space<vmem>>
    %dma_wait3A_237 = tpu.memref_squeeze %dma_wait3A_236 : memref<1x128x128xf32, #tpu.memory_space<vmem>> -> memref<128x128xf32, #tpu.memory_space<vmem>>
    %dma_wait3A_238 = arith.constant 0 : i32
    %dma_wait3A_239 = tpu.memref_slice %arg5[%add3A_116, %dma_wait3A_238] : memref<16384x128xf32, #tpu.memory_space<hbm>> -> memref<128x128xf32, #tpu.memory_space<hbm>>
    %dma_wait3A_240 = arith.constant 0 : i32
    %dma_wait3A_241 = tpu.memref_slice %arg5[%add3A_116, %dma_wait3A_240] : memref<16384x128xf32, #tpu.memory_space<hbm>> -> memref<128x128xf32, #tpu.memory_space<hbm>>
    %dma_wait3A_242 = arith.constant 0 : i32
    %dma_wait3A_243 = arith.constant 0 : i32
    %dma_wait3A_244 = tpu.memref_slice %arg9[%dma_wait3A_233, %dma_wait3A_242, %dma_wait3A_243] : memref<2x128x128xf32, #tpu.memory_space<vmem>> -> memref<1x128x128xf32, #tpu.memory_space<vmem>>
    %dma_wait3A_245 = tpu.memref_squeeze %dma_wait3A_244 : memref<1x128x128xf32, #tpu.memory_space<vmem>> -> memref<128x128xf32, #tpu.memory_space<vmem>>
    tpu.wait_dma2 semaphore(%arg15 : memref<!tpu.dma_semaphore, #tpu.memory_space<semaphore_mem>>) src(%dma_wait3A_245 : memref<128x128xf32, #tpu.memory_space<vmem>>) dst(%dma_wait3A_241 : memref<128x128xf32, #tpu.memory_space<hbm>>)
    %dma_wait3A_246 = arith.constant 0 : i32
    %dma_wait3A_247 = arith.constant 0 : i32
    %dma_wait3A_248 = arith.constant 0 : i32
    %dma_wait3A_249 = tpu.memref_slice %arg10[%dma_wait3A_246, %dma_wait3A_247, %dma_wait3A_248] : memref<2x128x64xf32, #tpu.memory_space<vmem>> -> memref<1x128x64xf32, #tpu.memory_space<vmem>>
    %dma_wait3A_250 = tpu.memref_squeeze %dma_wait3A_249 : memref<1x128x64xf32, #tpu.memory_space<vmem>> -> memref<128x64xf32, #tpu.memory_space<vmem>>
    %dma_wait3A_251 = arith.constant 0 : i32
    %dma_wait3A_252 = tpu.memref_slice %arg6[%add3A_116, %dma_wait3A_251] : memref<16384x128xf32, #tpu.memory_space<hbm>> -> memref<128x64xf32, #tpu.memory_space<hbm>>
    %dma_wait3A_253 = arith.constant 0 : i32
    %dma_wait3A_254 = tpu.memref_slice %arg6[%add3A_116, %dma_wait3A_253] : memref<16384x128xf32, #tpu.memory_space<hbm>> -> memref<128x64xf32, #tpu.memory_space<hbm>>
    %dma_wait3A_255 = arith.constant 0 : i32
    %dma_wait3A_256 = arith.constant 0 : i32
    %dma_wait3A_257 = tpu.memref_slice %arg10[%dma_wait3A_246, %dma_wait3A_255, %dma_wait3A_256] : memref<2x128x64xf32, #tpu.memory_space<vmem>> -> memref<1x128x64xf32, #tpu.memory_space<vmem>>
    %dma_wait3A_258 = tpu.memref_squeeze %dma_wait3A_257 : memref<1x128x64xf32, #tpu.memory_space<vmem>> -> memref<128x64xf32, #tpu.memory_space<vmem>>
    tpu.wait_dma2 semaphore(%arg15 : memref<!tpu.dma_semaphore, #tpu.memory_space<semaphore_mem>>) src(%dma_wait3A_258 : memref<128x64xf32, #tpu.memory_space<vmem>>) dst(%dma_wait3A_254 : memref<128x64xf32, #tpu.memory_space<hbm>>)
    %dma_wait3A_259 = arith.constant 0 : i32
    %dma_wait3A_260 = arith.constant 0 : i32
    %dma_wait3A_261 = arith.constant 0 : i32
    %dma_wait3A_262 = tpu.memref_slice %arg11[%dma_wait3A_259, %dma_wait3A_260, %dma_wait3A_261] : memref<2x128x64xf32, #tpu.memory_space<vmem>> -> memref<1x128x64xf32, #tpu.memory_space<vmem>>
    %dma_wait3A_263 = tpu.memref_squeeze %dma_wait3A_262 : memref<1x128x64xf32, #tpu.memory_space<vmem>> -> memref<128x64xf32, #tpu.memory_space<vmem>>
    %dma_wait3A_264 = arith.constant 64 : i32
    %dma_wait3A_265 = tpu.memref_slice %arg6[%add3A_116, %dma_wait3A_264] : memref<16384x128xf32, #tpu.memory_space<hbm>> -> memref<128x64xf32, #tpu.memory_space<hbm>>
    %dma_wait3A_266 = arith.constant 64 : i32
    %dma_wait3A_267 = tpu.memref_slice %arg6[%add3A_116, %dma_wait3A_266] : memref<16384x128xf32, #tpu.memory_space<hbm>> -> memref<128x64xf32, #tpu.memory_space<hbm>>
    %dma_wait3A_268 = arith.constant 0 : i32
    %dma_wait3A_269 = arith.constant 0 : i32
    %dma_wait3A_270 = tpu.memref_slice %arg11[%dma_wait3A_259, %dma_wait3A_268, %dma_wait3A_269] : memref<2x128x64xf32, #tpu.memory_space<vmem>> -> memref<1x128x64xf32, #tpu.memory_space<vmem>>
    %dma_wait3A_271 = tpu.memref_squeeze %dma_wait3A_270 : memref<1x128x64xf32, #tpu.memory_space<vmem>> -> memref<128x64xf32, #tpu.memory_space<vmem>>
    tpu.wait_dma2 semaphore(%arg15 : memref<!tpu.dma_semaphore, #tpu.memory_space<semaphore_mem>>) src(%dma_wait3A_271 : memref<128x64xf32, #tpu.memory_space<vmem>>) dst(%dma_wait3A_267 : memref<128x64xf32, #tpu.memory_space<hbm>>)
    %dma_wait3A_272 = arith.constant 0 : i32
    %dma_wait3A_273 = arith.constant 0 : i32
    %dma_wait3A_274 = arith.constant 0 : i32
    %dma_wait3A_275 = tpu.memref_slice %arg10[%dma_wait3A_272, %dma_wait3A_273, %dma_wait3A_274] : memref<2x128x64xf32, #tpu.memory_space<vmem>> -> memref<1x128x64xf32, #tpu.memory_space<vmem>>
    %dma_wait3A_276 = tpu.memref_squeeze %dma_wait3A_275 : memref<1x128x64xf32, #tpu.memory_space<vmem>> -> memref<128x64xf32, #tpu.memory_space<vmem>>
    %dma_wait3A_277 = arith.constant 0 : i32
    %dma_wait3A_278 = tpu.memref_slice %arg7[%add3A_116, %dma_wait3A_277] : memref<16384x128xf32, #tpu.memory_space<hbm>> -> memref<128x64xf32, #tpu.memory_space<hbm>>
    %dma_wait3A_279 = arith.constant 0 : i32
    %dma_wait3A_280 = tpu.memref_slice %arg7[%add3A_116, %dma_wait3A_279] : memref<16384x128xf32, #tpu.memory_space<hbm>> -> memref<128x64xf32, #tpu.memory_space<hbm>>
    %dma_wait3A_281 = arith.constant 0 : i32
    %dma_wait3A_282 = arith.constant 0 : i32
    %dma_wait3A_283 = tpu.memref_slice %arg10[%dma_wait3A_272, %dma_wait3A_281, %dma_wait3A_282] : memref<2x128x64xf32, #tpu.memory_space<vmem>> -> memref<1x128x64xf32, #tpu.memory_space<vmem>>
    %dma_wait3A_284 = tpu.memref_squeeze %dma_wait3A_283 : memref<1x128x64xf32, #tpu.memory_space<vmem>> -> memref<128x64xf32, #tpu.memory_space<vmem>>
    tpu.wait_dma2 semaphore(%arg15 : memref<!tpu.dma_semaphore, #tpu.memory_space<semaphore_mem>>) src(%dma_wait3A_284 : memref<128x64xf32, #tpu.memory_space<vmem>>) dst(%dma_wait3A_280 : memref<128x64xf32, #tpu.memory_space<hbm>>)
    %dma_wait3A_285 = arith.constant 0 : i32
    %dma_wait3A_286 = arith.constant 0 : i32
    %dma_wait3A_287 = arith.constant 0 : i32
    %dma_wait3A_288 = tpu.memref_slice %arg12[%dma_wait3A_285, %dma_wait3A_286, %dma_wait3A_287] : memref<2x128x64xf32, #tpu.memory_space<vmem>> -> memref<1x128x64xf32, #tpu.memory_space<vmem>>
    %dma_wait3A_289 = tpu.memref_squeeze %dma_wait3A_288 : memref<1x128x64xf32, #tpu.memory_space<vmem>> -> memref<128x64xf32, #tpu.memory_space<vmem>>
    %dma_wait3A_290 = arith.constant 64 : i32
    %dma_wait3A_291 = tpu.memref_slice %arg7[%add3A_116, %dma_wait3A_290] : memref<16384x128xf32, #tpu.memory_space<hbm>> -> memref<128x64xf32, #tpu.memory_space<hbm>>
    %dma_wait3A_292 = arith.constant 64 : i32
    %dma_wait3A_293 = tpu.memref_slice %arg7[%add3A_116, %dma_wait3A_292] : memref<16384x128xf32, #tpu.memory_space<hbm>> -> memref<128x64xf32, #tpu.memory_space<hbm>>
    %dma_wait3A_294 = arith.constant 0 : i32
    %dma_wait3A_295 = arith.constant 0 : i32
    %dma_wait3A_296 = tpu.memref_slice %arg12[%dma_wait3A_285, %dma_wait3A_294, %dma_wait3A_295] : memref<2x128x64xf32, #tpu.memory_space<vmem>> -> memref<1x128x64xf32, #tpu.memory_space<vmem>>
    %dma_wait3A_297 = tpu.memref_squeeze %dma_wait3A_296 : memref<1x128x64xf32, #tpu.memory_space<vmem>> -> memref<128x64xf32, #tpu.memory_space<vmem>>
    tpu.wait_dma2 semaphore(%arg15 : memref<!tpu.dma_semaphore, #tpu.memory_space<semaphore_mem>>) src(%dma_wait3A_297 : memref<128x64xf32, #tpu.memory_space<vmem>>) dst(%dma_wait3A_293 : memref<128x64xf32, #tpu.memory_space<hbm>>)
    %mul3A_298 = arith.constant 512 : i32
    %mul3A_299 = arith.muli %add3A, %mul3A_298 : i32
    %add3A_300 = arith.constant 256 : i32
    %add3A_301 = arith.addi %mul3A_299, %add3A_300 : i32
    %run_scoped3A_302 = arith.constant 0 : i32
    "tpu.region"() ({
      %run_scoped3A_970 = tpu.sem_alloc : memref<!tpu.dma_semaphore, #tpu.memory_space<semaphore_mem>>
      %dma_start3A_971 = arith.constant 0 : i32
      %dma_start3A_972 = arith.constant 0 : i32
      %dma_start3A_973 = tpu.memref_slice %arg8[%run_scoped3A_302, %dma_start3A_971, %dma_start3A_972] : memref<2x4x128xi32, #tpu.memory_space<vmem>> -> memref<1x4x128xi32, #tpu.memory_space<vmem>>
      %dma_start3A_974 = tpu.memref_squeeze %dma_start3A_973 : memref<1x4x128xi32, #tpu.memory_space<vmem>> -> memref<4x128xi32, #tpu.memory_space<vmem>>
      %dma_start3A_975 = arith.constant 0 : i32
      %dma_start3A_976 = tpu.memref_slice %arg2[%dma_start3A_975, %add3A_301] : memref<4x16384xi32, #tpu.memory_space<hbm>> -> memref<4x128xi32, #tpu.memory_space<hbm>>
      %dma_start3A_977 = arith.constant 0 : i32
      %dma_start3A_978 = arith.constant 0 : i32
      %dma_start3A_979 = tpu.memref_slice %arg8[%run_scoped3A_302, %dma_start3A_977, %dma_start3A_978] : memref<2x4x128xi32, #tpu.memory_space<vmem>> -> memref<1x4x128xi32, #tpu.memory_space<vmem>>
      %dma_start3A_980 = tpu.memref_squeeze %dma_start3A_979 : memref<1x4x128xi32, #tpu.memory_space<vmem>> -> memref<4x128xi32, #tpu.memory_space<vmem>>
      %dma_start3A_981 = arith.constant 0 : i32
      %dma_start3A_982 = tpu.memref_slice %arg2[%dma_start3A_981, %add3A_301] : memref<4x16384xi32, #tpu.memory_space<hbm>> -> memref<4x128xi32, #tpu.memory_space<hbm>>
      tpu.enqueue_dma source(%dma_start3A_982 : memref<4x128xi32, #tpu.memory_space<hbm>>) target(%dma_start3A_980 : memref<4x128xi32, #tpu.memory_space<vmem>>) target_semaphore(%run_scoped3A_970 : memref<!tpu.dma_semaphore, #tpu.memory_space<semaphore_mem>>)
      %dma_wait3A_983 = arith.constant 0 : i32
      %dma_wait3A_984 = arith.constant 0 : i32
      %dma_wait3A_985 = tpu.memref_slice %arg8[%run_scoped3A_302, %dma_wait3A_983, %dma_wait3A_984] : memref<2x4x128xi32, #tpu.memory_space<vmem>> -> memref<1x4x128xi32, #tpu.memory_space<vmem>>
      %dma_wait3A_986 = tpu.memref_squeeze %dma_wait3A_985 : memref<1x4x128xi32, #tpu.memory_space<vmem>> -> memref<4x128xi32, #tpu.memory_space<vmem>>
      %dma_wait3A_987 = arith.constant 0 : i32
      %dma_wait3A_988 = tpu.memref_slice %arg2[%dma_wait3A_987, %add3A_301] : memref<4x16384xi32, #tpu.memory_space<hbm>> -> memref<4x128xi32, #tpu.memory_space<hbm>>
      %dma_wait3A_989 = arith.constant 0 : i32
      %dma_wait3A_990 = arith.constant 0 : i32
      %dma_wait3A_991 = tpu.memref_slice %arg8[%run_scoped3A_302, %dma_wait3A_989, %dma_wait3A_990] : memref<2x4x128xi32, #tpu.memory_space<vmem>> -> memref<1x4x128xi32, #tpu.memory_space<vmem>>
      %dma_wait3A_992 = tpu.memref_squeeze %dma_wait3A_991 : memref<1x4x128xi32, #tpu.memory_space<vmem>> -> memref<4x128xi32, #tpu.memory_space<vmem>>
      %dma_wait3A_993 = arith.constant 0 : i32
      %dma_wait3A_994 = tpu.memref_slice %arg2[%dma_wait3A_993, %add3A_301] : memref<4x16384xi32, #tpu.memory_space<hbm>> -> memref<4x128xi32, #tpu.memory_space<hbm>>
      tpu.wait_dma2 semaphore(%run_scoped3A_970 : memref<!tpu.dma_semaphore, #tpu.memory_space<semaphore_mem>>) src(%dma_wait3A_994 : memref<4x128xi32, #tpu.memory_space<hbm>>) dst(%dma_wait3A_992 : memref<4x128xi32, #tpu.memory_space<vmem>>)
      tpu.yield
    }) : () -> ()
    %dma_start3A_303 = arith.constant 0 : i32
    %dma_start3A_304 = arith.constant 0 : i32
    %dma_start3A_305 = arith.constant 0 : i32
    %dma_start3A_306 = arith.constant 0 : i32
    %dma_start3A_307 = arith.constant 0 : i32
    %dma_start3A_308 = tpu.memref_slice %arg10[%dma_start3A_305, %dma_start3A_306, %dma_start3A_307] : memref<2x128x64xf32, #tpu.memory_space<vmem>> -> memref<1x128x64xf32, #tpu.memory_space<vmem>>
    %dma_start3A_309 = tpu.memref_squeeze %dma_start3A_308 : memref<1x128x64xf32, #tpu.memory_space<vmem>> -> memref<128x64xf32, #tpu.memory_space<vmem>>
    %dma_start3A_310 = arith.constant 0 : i32
    %dma_start3A_311 = tpu.memref_slice %arg8[%dma_start3A_303, %dma_start3A_304, %dma_start3A_310] : memref<2x4x128xi32, #tpu.memory_space<vmem>> -> memref<1x1x128xi32, #tpu.memory_space<vmem>>
    %dma_start3A_312 = tpu.memref_squeeze %dma_start3A_311 : memref<1x1x128xi32, #tpu.memory_space<vmem>> -> memref<128xi32, #tpu.memory_space<vmem>>
    %dma_start3A_313 = arith.constant 0 : i32
    %dma_start3A_314 = arith.constant 0 : i32
    %dma_start3A_315 = tpu.memref_slice %arg3[%dma_start3A_313, %dma_start3A_314] : memref<1015808x64xf32, #tpu.memory_space<hbm>> -> memref<1015808x64xf32, #tpu.memory_space<hbm>>
    tpu.enqueue_indirect_dma source(%dma_start3A_315 : memref<1015808x64xf32, #tpu.memory_space<hbm>>) target(%dma_start3A_309 : memref<128x64xf32, #tpu.memory_space<vmem>>) offsets(%dma_start3A_312 : memref<128xi32, #tpu.memory_space<vmem>>) semaphore(%arg13 : memref<!tpu.dma_semaphore, #tpu.memory_space<semaphore_mem>>)
    %dma_start3A_316 = arith.constant 0 : i32
    %dma_start3A_317 = arith.constant 1 : i32
    %dma_start3A_318 = arith.constant 0 : i32
    %dma_start3A_319 = arith.constant 0 : i32
    %dma_start3A_320 = arith.constant 0 : i32
    %dma_start3A_321 = tpu.memref_slice %arg11[%dma_start3A_318, %dma_start3A_319, %dma_start3A_320] : memref<2x128x64xf32, #tpu.memory_space<vmem>> -> memref<1x128x64xf32, #tpu.memory_space<vmem>>
    %dma_start3A_322 = tpu.memref_squeeze %dma_start3A_321 : memref<1x128x64xf32, #tpu.memory_space<vmem>> -> memref<128x64xf32, #tpu.memory_space<vmem>>
    %dma_start3A_323 = arith.constant 0 : i32
    %dma_start3A_324 = tpu.memref_slice %arg8[%dma_start3A_316, %dma_start3A_317, %dma_start3A_323] : memref<2x4x128xi32, #tpu.memory_space<vmem>> -> memref<1x1x128xi32, #tpu.memory_space<vmem>>
    %dma_start3A_325 = tpu.memref_squeeze %dma_start3A_324 : memref<1x1x128xi32, #tpu.memory_space<vmem>> -> memref<128xi32, #tpu.memory_space<vmem>>
    %dma_start3A_326 = arith.constant 0 : i32
    %dma_start3A_327 = arith.constant 0 : i32
    %dma_start3A_328 = tpu.memref_slice %arg3[%dma_start3A_326, %dma_start3A_327] : memref<1015808x64xf32, #tpu.memory_space<hbm>> -> memref<1015808x64xf32, #tpu.memory_space<hbm>>
    tpu.enqueue_indirect_dma source(%dma_start3A_328 : memref<1015808x64xf32, #tpu.memory_space<hbm>>) target(%dma_start3A_322 : memref<128x64xf32, #tpu.memory_space<vmem>>) offsets(%dma_start3A_325 : memref<128xi32, #tpu.memory_space<vmem>>) semaphore(%arg13 : memref<!tpu.dma_semaphore, #tpu.memory_space<semaphore_mem>>)
    %dma_start3A_329 = arith.constant 0 : i32
    %dma_start3A_330 = arith.constant 2 : i32
    %dma_start3A_331 = arith.constant 0 : i32
    %dma_start3A_332 = arith.constant 0 : i32
    %dma_start3A_333 = arith.constant 0 : i32
    %dma_start3A_334 = tpu.memref_slice %arg12[%dma_start3A_331, %dma_start3A_332, %dma_start3A_333] : memref<2x128x64xf32, #tpu.memory_space<vmem>> -> memref<1x128x64xf32, #tpu.memory_space<vmem>>
    %dma_start3A_335 = tpu.memref_squeeze %dma_start3A_334 : memref<1x128x64xf32, #tpu.memory_space<vmem>> -> memref<128x64xf32, #tpu.memory_space<vmem>>
    %dma_start3A_336 = arith.constant 0 : i32
    %dma_start3A_337 = tpu.memref_slice %arg8[%dma_start3A_329, %dma_start3A_330, %dma_start3A_336] : memref<2x4x128xi32, #tpu.memory_space<vmem>> -> memref<1x1x128xi32, #tpu.memory_space<vmem>>
    %dma_start3A_338 = tpu.memref_squeeze %dma_start3A_337 : memref<1x1x128xi32, #tpu.memory_space<vmem>> -> memref<128xi32, #tpu.memory_space<vmem>>
    %dma_start3A_339 = arith.constant 0 : i32
    %dma_start3A_340 = arith.constant 0 : i32
    %dma_start3A_341 = tpu.memref_slice %arg3[%dma_start3A_339, %dma_start3A_340] : memref<1015808x64xf32, #tpu.memory_space<hbm>> -> memref<1015808x64xf32, #tpu.memory_space<hbm>>
    tpu.enqueue_indirect_dma source(%dma_start3A_341 : memref<1015808x64xf32, #tpu.memory_space<hbm>>) target(%dma_start3A_335 : memref<128x64xf32, #tpu.memory_space<vmem>>) offsets(%dma_start3A_338 : memref<128xi32, #tpu.memory_space<vmem>>) semaphore(%arg13 : memref<!tpu.dma_semaphore, #tpu.memory_space<semaphore_mem>>)
    %dma_start3A_342 = arith.constant 0 : i32
    %dma_start3A_343 = arith.constant 3 : i32
    %dma_start3A_344 = arith.constant 0 : i32
    %dma_start3A_345 = arith.constant 0 : i32
    %dma_start3A_346 = arith.constant 0 : i32
    %dma_start3A_347 = tpu.memref_slice %arg9[%dma_start3A_344, %dma_start3A_345, %dma_start3A_346] : memref<2x128x128xf32, #tpu.memory_space<vmem>> -> memref<1x128x128xf32, #tpu.memory_space<vmem>>
    %dma_start3A_348 = tpu.memref_squeeze %dma_start3A_347 : memref<1x128x128xf32, #tpu.memory_space<vmem>> -> memref<128x128xf32, #tpu.memory_space<vmem>>
    %dma_start3A_349 = arith.constant 0 : i32
    %dma_start3A_350 = tpu.memref_slice %arg8[%dma_start3A_342, %dma_start3A_343, %dma_start3A_349] : memref<2x4x128xi32, #tpu.memory_space<vmem>> -> memref<1x1x128xi32, #tpu.memory_space<vmem>>
    %dma_start3A_351 = tpu.memref_squeeze %dma_start3A_350 : memref<1x1x128xi32, #tpu.memory_space<vmem>> -> memref<128xi32, #tpu.memory_space<vmem>>
    %dma_start3A_352 = arith.constant 0 : i32
    %dma_start3A_353 = arith.constant 0 : i32
    %dma_start3A_354 = tpu.memref_slice %arg4[%dma_start3A_352, %dma_start3A_353] : memref<100000x128xf32, #tpu.memory_space<hbm>> -> memref<100000x128xf32, #tpu.memory_space<hbm>>
    tpu.enqueue_indirect_dma source(%dma_start3A_354 : memref<100000x128xf32, #tpu.memory_space<hbm>>) target(%dma_start3A_348 : memref<128x128xf32, #tpu.memory_space<vmem>>) offsets(%dma_start3A_351 : memref<128xi32, #tpu.memory_space<vmem>>) semaphore(%arg13 : memref<!tpu.dma_semaphore, #tpu.memory_space<semaphore_mem>>)
    %mul3A_355 = arith.constant 512 : i32
    %mul3A_356 = arith.muli %add3A, %mul3A_355 : i32
    %add3A_357 = arith.constant 128 : i32
    %add3A_358 = arith.addi %mul3A_356, %add3A_357 : i32
    %dma_wait3A_359 = arith.constant 1 : i32
    %dma_wait3A_360 = arith.constant 0 : i32
    %dma_wait3A_361 = arith.constant 1 : i32
    %dma_wait3A_362 = arith.constant 0 : i32
    %dma_wait3A_363 = arith.constant 0 : i32
    %dma_wait3A_364 = tpu.memref_slice %arg10[%dma_wait3A_361, %dma_wait3A_362, %dma_wait3A_363] : memref<2x128x64xf32, #tpu.memory_space<vmem>> -> memref<1x128x64xf32, #tpu.memory_space<vmem>>
    %dma_wait3A_365 = tpu.memref_squeeze %dma_wait3A_364 : memref<1x128x64xf32, #tpu.memory_space<vmem>> -> memref<128x64xf32, #tpu.memory_space<vmem>>
    %dma_wait3A_366 = arith.constant 0 : i32
    %dma_wait3A_367 = tpu.memref_slice %arg8[%dma_wait3A_359, %dma_wait3A_360, %dma_wait3A_366] : memref<2x4x128xi32, #tpu.memory_space<vmem>> -> memref<1x1x128xi32, #tpu.memory_space<vmem>>
    %dma_wait3A_368 = tpu.memref_squeeze %dma_wait3A_367 : memref<1x1x128xi32, #tpu.memory_space<vmem>> -> memref<128xi32, #tpu.memory_space<vmem>>
    %dma_wait3A_369 = arith.constant 0 : i32
    %dma_wait3A_370 = arith.constant 0 : i32
    %dma_wait3A_371 = tpu.memref_slice %arg3[%dma_wait3A_369, %dma_wait3A_370] : memref<1015808x64xf32, #tpu.memory_space<hbm>> -> memref<1015808x64xf32, #tpu.memory_space<hbm>>
    tpu.wait_indirect_dma semaphore(%arg14 : memref<!tpu.dma_semaphore, #tpu.memory_space<semaphore_mem>>) src(%dma_wait3A_371 : memref<1015808x64xf32, #tpu.memory_space<hbm>>) dst(%dma_wait3A_365 : memref<128x64xf32, #tpu.memory_space<vmem>>)
    %dma_wait3A_372 = arith.constant 1 : i32
    %dma_wait3A_373 = arith.constant 1 : i32
    %dma_wait3A_374 = arith.constant 1 : i32
    %dma_wait3A_375 = arith.constant 0 : i32
    %dma_wait3A_376 = arith.constant 0 : i32
    %dma_wait3A_377 = tpu.memref_slice %arg11[%dma_wait3A_374, %dma_wait3A_375, %dma_wait3A_376] : memref<2x128x64xf32, #tpu.memory_space<vmem>> -> memref<1x128x64xf32, #tpu.memory_space<vmem>>
    %dma_wait3A_378 = tpu.memref_squeeze %dma_wait3A_377 : memref<1x128x64xf32, #tpu.memory_space<vmem>> -> memref<128x64xf32, #tpu.memory_space<vmem>>
    %dma_wait3A_379 = arith.constant 0 : i32
    %dma_wait3A_380 = tpu.memref_slice %arg8[%dma_wait3A_372, %dma_wait3A_373, %dma_wait3A_379] : memref<2x4x128xi32, #tpu.memory_space<vmem>> -> memref<1x1x128xi32, #tpu.memory_space<vmem>>
    %dma_wait3A_381 = tpu.memref_squeeze %dma_wait3A_380 : memref<1x1x128xi32, #tpu.memory_space<vmem>> -> memref<128xi32, #tpu.memory_space<vmem>>
    %dma_wait3A_382 = arith.constant 0 : i32
    %dma_wait3A_383 = arith.constant 0 : i32
    %dma_wait3A_384 = tpu.memref_slice %arg3[%dma_wait3A_382, %dma_wait3A_383] : memref<1015808x64xf32, #tpu.memory_space<hbm>> -> memref<1015808x64xf32, #tpu.memory_space<hbm>>
    tpu.wait_indirect_dma semaphore(%arg14 : memref<!tpu.dma_semaphore, #tpu.memory_space<semaphore_mem>>) src(%dma_wait3A_384 : memref<1015808x64xf32, #tpu.memory_space<hbm>>) dst(%dma_wait3A_378 : memref<128x64xf32, #tpu.memory_space<vmem>>)
    %dma_wait3A_385 = arith.constant 1 : i32
    %dma_wait3A_386 = arith.constant 2 : i32
    %dma_wait3A_387 = arith.constant 1 : i32
    %dma_wait3A_388 = arith.constant 0 : i32
    %dma_wait3A_389 = arith.constant 0 : i32
    %dma_wait3A_390 = tpu.memref_slice %arg12[%dma_wait3A_387, %dma_wait3A_388, %dma_wait3A_389] : memref<2x128x64xf32, #tpu.memory_space<vmem>> -> memref<1x128x64xf32, #tpu.memory_space<vmem>>
    %dma_wait3A_391 = tpu.memref_squeeze %dma_wait3A_390 : memref<1x128x64xf32, #tpu.memory_space<vmem>> -> memref<128x64xf32, #tpu.memory_space<vmem>>
    %dma_wait3A_392 = arith.constant 0 : i32
    %dma_wait3A_393 = tpu.memref_slice %arg8[%dma_wait3A_385, %dma_wait3A_386, %dma_wait3A_392] : memref<2x4x128xi32, #tpu.memory_space<vmem>> -> memref<1x1x128xi32, #tpu.memory_space<vmem>>
    %dma_wait3A_394 = tpu.memref_squeeze %dma_wait3A_393 : memref<1x1x128xi32, #tpu.memory_space<vmem>> -> memref<128xi32, #tpu.memory_space<vmem>>
    %dma_wait3A_395 = arith.constant 0 : i32
    %dma_wait3A_396 = arith.constant 0 : i32
    %dma_wait3A_397 = tpu.memref_slice %arg3[%dma_wait3A_395, %dma_wait3A_396] : memref<1015808x64xf32, #tpu.memory_space<hbm>> -> memref<1015808x64xf32, #tpu.memory_space<hbm>>
    tpu.wait_indirect_dma semaphore(%arg14 : memref<!tpu.dma_semaphore, #tpu.memory_space<semaphore_mem>>) src(%dma_wait3A_397 : memref<1015808x64xf32, #tpu.memory_space<hbm>>) dst(%dma_wait3A_391 : memref<128x64xf32, #tpu.memory_space<vmem>>)
    %dma_wait3A_398 = arith.constant 1 : i32
    %dma_wait3A_399 = arith.constant 3 : i32
    %dma_wait3A_400 = arith.constant 1 : i32
    %dma_wait3A_401 = arith.constant 0 : i32
    %dma_wait3A_402 = arith.constant 0 : i32
    %dma_wait3A_403 = tpu.memref_slice %arg9[%dma_wait3A_400, %dma_wait3A_401, %dma_wait3A_402] : memref<2x128x128xf32, #tpu.memory_space<vmem>> -> memref<1x128x128xf32, #tpu.memory_space<vmem>>
    %dma_wait3A_404 = tpu.memref_squeeze %dma_wait3A_403 : memref<1x128x128xf32, #tpu.memory_space<vmem>> -> memref<128x128xf32, #tpu.memory_space<vmem>>
    %dma_wait3A_405 = arith.constant 0 : i32
    %dma_wait3A_406 = tpu.memref_slice %arg8[%dma_wait3A_398, %dma_wait3A_399, %dma_wait3A_405] : memref<2x4x128xi32, #tpu.memory_space<vmem>> -> memref<1x1x128xi32, #tpu.memory_space<vmem>>
    %dma_wait3A_407 = tpu.memref_squeeze %dma_wait3A_406 : memref<1x1x128xi32, #tpu.memory_space<vmem>> -> memref<128xi32, #tpu.memory_space<vmem>>
    %dma_wait3A_408 = arith.constant 0 : i32
    %dma_wait3A_409 = arith.constant 0 : i32
    %dma_wait3A_410 = tpu.memref_slice %arg4[%dma_wait3A_408, %dma_wait3A_409] : memref<100000x128xf32, #tpu.memory_space<hbm>> -> memref<100000x128xf32, #tpu.memory_space<hbm>>
    tpu.wait_indirect_dma semaphore(%arg14 : memref<!tpu.dma_semaphore, #tpu.memory_space<semaphore_mem>>) src(%dma_wait3A_410 : memref<100000x128xf32, #tpu.memory_space<hbm>>) dst(%dma_wait3A_404 : memref<128x128xf32, #tpu.memory_space<vmem>>)
    %dma_start3A_411 = arith.constant 1 : i32
    %dma_start3A_412 = arith.constant 0 : i32
    %dma_start3A_413 = arith.constant 0 : i32
    %dma_start3A_414 = tpu.memref_slice %arg9[%dma_start3A_411, %dma_start3A_412, %dma_start3A_413] : memref<2x128x128xf32, #tpu.memory_space<vmem>> -> memref<1x128x128xf32, #tpu.memory_space<vmem>>
    %dma_start3A_415 = tpu.memref_squeeze %dma_start3A_414 : memref<1x128x128xf32, #tpu.memory_space<vmem>> -> memref<128x128xf32, #tpu.memory_space<vmem>>
    %dma_start3A_416 = arith.constant 0 : i32
    %dma_start3A_417 = tpu.memref_slice %arg5[%add3A_358, %dma_start3A_416] : memref<16384x128xf32, #tpu.memory_space<hbm>> -> memref<128x128xf32, #tpu.memory_space<hbm>>
    %dma_start3A_418 = arith.constant 0 : i32
    %dma_start3A_419 = tpu.memref_slice %arg5[%add3A_358, %dma_start3A_418] : memref<16384x128xf32, #tpu.memory_space<hbm>> -> memref<128x128xf32, #tpu.memory_space<hbm>>
    %dma_start3A_420 = arith.constant 0 : i32
    %dma_start3A_421 = arith.constant 0 : i32
    %dma_start3A_422 = tpu.memref_slice %arg9[%dma_start3A_411, %dma_start3A_420, %dma_start3A_421] : memref<2x128x128xf32, #tpu.memory_space<vmem>> -> memref<1x128x128xf32, #tpu.memory_space<vmem>>
    %dma_start3A_423 = tpu.memref_squeeze %dma_start3A_422 : memref<1x128x128xf32, #tpu.memory_space<vmem>> -> memref<128x128xf32, #tpu.memory_space<vmem>>
    tpu.enqueue_dma source(%dma_start3A_423 : memref<128x128xf32, #tpu.memory_space<vmem>>) target(%dma_start3A_419 : memref<128x128xf32, #tpu.memory_space<hbm>>) target_semaphore(%arg16 : memref<!tpu.dma_semaphore, #tpu.memory_space<semaphore_mem>>)
    %dma_start3A_424 = arith.constant 1 : i32
    %dma_start3A_425 = arith.constant 0 : i32
    %dma_start3A_426 = arith.constant 0 : i32
    %dma_start3A_427 = tpu.memref_slice %arg10[%dma_start3A_424, %dma_start3A_425, %dma_start3A_426] : memref<2x128x64xf32, #tpu.memory_space<vmem>> -> memref<1x128x64xf32, #tpu.memory_space<vmem>>
    %dma_start3A_428 = tpu.memref_squeeze %dma_start3A_427 : memref<1x128x64xf32, #tpu.memory_space<vmem>> -> memref<128x64xf32, #tpu.memory_space<vmem>>
    %dma_start3A_429 = arith.constant 0 : i32
    %dma_start3A_430 = tpu.memref_slice %arg6[%add3A_358, %dma_start3A_429] : memref<16384x128xf32, #tpu.memory_space<hbm>> -> memref<128x64xf32, #tpu.memory_space<hbm>>
    %dma_start3A_431 = arith.constant 0 : i32
    %dma_start3A_432 = tpu.memref_slice %arg6[%add3A_358, %dma_start3A_431] : memref<16384x128xf32, #tpu.memory_space<hbm>> -> memref<128x64xf32, #tpu.memory_space<hbm>>
    %dma_start3A_433 = arith.constant 0 : i32
    %dma_start3A_434 = arith.constant 0 : i32
    %dma_start3A_435 = tpu.memref_slice %arg10[%dma_start3A_424, %dma_start3A_433, %dma_start3A_434] : memref<2x128x64xf32, #tpu.memory_space<vmem>> -> memref<1x128x64xf32, #tpu.memory_space<vmem>>
    %dma_start3A_436 = tpu.memref_squeeze %dma_start3A_435 : memref<1x128x64xf32, #tpu.memory_space<vmem>> -> memref<128x64xf32, #tpu.memory_space<vmem>>
    tpu.enqueue_dma source(%dma_start3A_436 : memref<128x64xf32, #tpu.memory_space<vmem>>) target(%dma_start3A_432 : memref<128x64xf32, #tpu.memory_space<hbm>>) target_semaphore(%arg16 : memref<!tpu.dma_semaphore, #tpu.memory_space<semaphore_mem>>)
    %dma_start3A_437 = arith.constant 1 : i32
    %dma_start3A_438 = arith.constant 0 : i32
    %dma_start3A_439 = arith.constant 0 : i32
    %dma_start3A_440 = tpu.memref_slice %arg11[%dma_start3A_437, %dma_start3A_438, %dma_start3A_439] : memref<2x128x64xf32, #tpu.memory_space<vmem>> -> memref<1x128x64xf32, #tpu.memory_space<vmem>>
    %dma_start3A_441 = tpu.memref_squeeze %dma_start3A_440 : memref<1x128x64xf32, #tpu.memory_space<vmem>> -> memref<128x64xf32, #tpu.memory_space<vmem>>
    %dma_start3A_442 = arith.constant 64 : i32
    %dma_start3A_443 = tpu.memref_slice %arg6[%add3A_358, %dma_start3A_442] : memref<16384x128xf32, #tpu.memory_space<hbm>> -> memref<128x64xf32, #tpu.memory_space<hbm>>
    %dma_start3A_444 = arith.constant 64 : i32
    %dma_start3A_445 = tpu.memref_slice %arg6[%add3A_358, %dma_start3A_444] : memref<16384x128xf32, #tpu.memory_space<hbm>> -> memref<128x64xf32, #tpu.memory_space<hbm>>
    %dma_start3A_446 = arith.constant 0 : i32
    %dma_start3A_447 = arith.constant 0 : i32
    %dma_start3A_448 = tpu.memref_slice %arg11[%dma_start3A_437, %dma_start3A_446, %dma_start3A_447] : memref<2x128x64xf32, #tpu.memory_space<vmem>> -> memref<1x128x64xf32, #tpu.memory_space<vmem>>
    %dma_start3A_449 = tpu.memref_squeeze %dma_start3A_448 : memref<1x128x64xf32, #tpu.memory_space<vmem>> -> memref<128x64xf32, #tpu.memory_space<vmem>>
    tpu.enqueue_dma source(%dma_start3A_449 : memref<128x64xf32, #tpu.memory_space<vmem>>) target(%dma_start3A_445 : memref<128x64xf32, #tpu.memory_space<hbm>>) target_semaphore(%arg16 : memref<!tpu.dma_semaphore, #tpu.memory_space<semaphore_mem>>)
    %dma_start3A_450 = arith.constant 1 : i32
    %dma_start3A_451 = arith.constant 0 : i32
    %dma_start3A_452 = arith.constant 0 : i32
    %dma_start3A_453 = tpu.memref_slice %arg10[%dma_start3A_450, %dma_start3A_451, %dma_start3A_452] : memref<2x128x64xf32, #tpu.memory_space<vmem>> -> memref<1x128x64xf32, #tpu.memory_space<vmem>>
    %dma_start3A_454 = tpu.memref_squeeze %dma_start3A_453 : memref<1x128x64xf32, #tpu.memory_space<vmem>> -> memref<128x64xf32, #tpu.memory_space<vmem>>
    %dma_start3A_455 = arith.constant 0 : i32
    %dma_start3A_456 = tpu.memref_slice %arg7[%add3A_358, %dma_start3A_455] : memref<16384x128xf32, #tpu.memory_space<hbm>> -> memref<128x64xf32, #tpu.memory_space<hbm>>
    %dma_start3A_457 = arith.constant 0 : i32
    %dma_start3A_458 = tpu.memref_slice %arg7[%add3A_358, %dma_start3A_457] : memref<16384x128xf32, #tpu.memory_space<hbm>> -> memref<128x64xf32, #tpu.memory_space<hbm>>
    %dma_start3A_459 = arith.constant 0 : i32
    %dma_start3A_460 = arith.constant 0 : i32
    %dma_start3A_461 = tpu.memref_slice %arg10[%dma_start3A_450, %dma_start3A_459, %dma_start3A_460] : memref<2x128x64xf32, #tpu.memory_space<vmem>> -> memref<1x128x64xf32, #tpu.memory_space<vmem>>
    %dma_start3A_462 = tpu.memref_squeeze %dma_start3A_461 : memref<1x128x64xf32, #tpu.memory_space<vmem>> -> memref<128x64xf32, #tpu.memory_space<vmem>>
    tpu.enqueue_dma source(%dma_start3A_462 : memref<128x64xf32, #tpu.memory_space<vmem>>) target(%dma_start3A_458 : memref<128x64xf32, #tpu.memory_space<hbm>>) target_semaphore(%arg16 : memref<!tpu.dma_semaphore, #tpu.memory_space<semaphore_mem>>)
    %dma_start3A_463 = arith.constant 1 : i32
    %dma_start3A_464 = arith.constant 0 : i32
    %dma_start3A_465 = arith.constant 0 : i32
    %dma_start3A_466 = tpu.memref_slice %arg12[%dma_start3A_463, %dma_start3A_464, %dma_start3A_465] : memref<2x128x64xf32, #tpu.memory_space<vmem>> -> memref<1x128x64xf32, #tpu.memory_space<vmem>>
    %dma_start3A_467 = tpu.memref_squeeze %dma_start3A_466 : memref<1x128x64xf32, #tpu.memory_space<vmem>> -> memref<128x64xf32, #tpu.memory_space<vmem>>
    %dma_start3A_468 = arith.constant 64 : i32
    %dma_start3A_469 = tpu.memref_slice %arg7[%add3A_358, %dma_start3A_468] : memref<16384x128xf32, #tpu.memory_space<hbm>> -> memref<128x64xf32, #tpu.memory_space<hbm>>
    %dma_start3A_470 = arith.constant 64 : i32
    %dma_start3A_471 = tpu.memref_slice %arg7[%add3A_358, %dma_start3A_470] : memref<16384x128xf32, #tpu.memory_space<hbm>> -> memref<128x64xf32, #tpu.memory_space<hbm>>
    %dma_start3A_472 = arith.constant 0 : i32
    %dma_start3A_473 = arith.constant 0 : i32
    %dma_start3A_474 = tpu.memref_slice %arg12[%dma_start3A_463, %dma_start3A_472, %dma_start3A_473] : memref<2x128x64xf32, #tpu.memory_space<vmem>> -> memref<1x128x64xf32, #tpu.memory_space<vmem>>
    %dma_start3A_475 = tpu.memref_squeeze %dma_start3A_474 : memref<1x128x64xf32, #tpu.memory_space<vmem>> -> memref<128x64xf32, #tpu.memory_space<vmem>>
    tpu.enqueue_dma source(%dma_start3A_475 : memref<128x64xf32, #tpu.memory_space<vmem>>) target(%dma_start3A_471 : memref<128x64xf32, #tpu.memory_space<hbm>>) target_semaphore(%arg16 : memref<!tpu.dma_semaphore, #tpu.memory_space<semaphore_mem>>)
    %dma_wait3A_476 = arith.constant 1 : i32
    %dma_wait3A_477 = arith.constant 0 : i32
    %dma_wait3A_478 = arith.constant 0 : i32
    %dma_wait3A_479 = tpu.memref_slice %arg9[%dma_wait3A_476, %dma_wait3A_477, %dma_wait3A_478] : memref<2x128x128xf32, #tpu.memory_space<vmem>> -> memref<1x128x128xf32, #tpu.memory_space<vmem>>
    %dma_wait3A_480 = tpu.memref_squeeze %dma_wait3A_479 : memref<1x128x128xf32, #tpu.memory_space<vmem>> -> memref<128x128xf32, #tpu.memory_space<vmem>>
    %dma_wait3A_481 = arith.constant 0 : i32
    %dma_wait3A_482 = tpu.memref_slice %arg5[%add3A_358, %dma_wait3A_481] : memref<16384x128xf32, #tpu.memory_space<hbm>> -> memref<128x128xf32, #tpu.memory_space<hbm>>
    %dma_wait3A_483 = arith.constant 0 : i32
    %dma_wait3A_484 = tpu.memref_slice %arg5[%add3A_358, %dma_wait3A_483] : memref<16384x128xf32, #tpu.memory_space<hbm>> -> memref<128x128xf32, #tpu.memory_space<hbm>>
    %dma_wait3A_485 = arith.constant 0 : i32
    %dma_wait3A_486 = arith.constant 0 : i32
    %dma_wait3A_487 = tpu.memref_slice %arg9[%dma_wait3A_476, %dma_wait3A_485, %dma_wait3A_486] : memref<2x128x128xf32, #tpu.memory_space<vmem>> -> memref<1x128x128xf32, #tpu.memory_space<vmem>>
    %dma_wait3A_488 = tpu.memref_squeeze %dma_wait3A_487 : memref<1x128x128xf32, #tpu.memory_space<vmem>> -> memref<128x128xf32, #tpu.memory_space<vmem>>
    tpu.wait_dma2 semaphore(%arg16 : memref<!tpu.dma_semaphore, #tpu.memory_space<semaphore_mem>>) src(%dma_wait3A_488 : memref<128x128xf32, #tpu.memory_space<vmem>>) dst(%dma_wait3A_484 : memref<128x128xf32, #tpu.memory_space<hbm>>)
    %dma_wait3A_489 = arith.constant 1 : i32
    %dma_wait3A_490 = arith.constant 0 : i32
    %dma_wait3A_491 = arith.constant 0 : i32
    %dma_wait3A_492 = tpu.memref_slice %arg10[%dma_wait3A_489, %dma_wait3A_490, %dma_wait3A_491] : memref<2x128x64xf32, #tpu.memory_space<vmem>> -> memref<1x128x64xf32, #tpu.memory_space<vmem>>
    %dma_wait3A_493 = tpu.memref_squeeze %dma_wait3A_492 : memref<1x128x64xf32, #tpu.memory_space<vmem>> -> memref<128x64xf32, #tpu.memory_space<vmem>>
    %dma_wait3A_494 = arith.constant 0 : i32
    %dma_wait3A_495 = tpu.memref_slice %arg6[%add3A_358, %dma_wait3A_494] : memref<16384x128xf32, #tpu.memory_space<hbm>> -> memref<128x64xf32, #tpu.memory_space<hbm>>
    %dma_wait3A_496 = arith.constant 0 : i32
    %dma_wait3A_497 = tpu.memref_slice %arg6[%add3A_358, %dma_wait3A_496] : memref<16384x128xf32, #tpu.memory_space<hbm>> -> memref<128x64xf32, #tpu.memory_space<hbm>>
    %dma_wait3A_498 = arith.constant 0 : i32
    %dma_wait3A_499 = arith.constant 0 : i32
    %dma_wait3A_500 = tpu.memref_slice %arg10[%dma_wait3A_489, %dma_wait3A_498, %dma_wait3A_499] : memref<2x128x64xf32, #tpu.memory_space<vmem>> -> memref<1x128x64xf32, #tpu.memory_space<vmem>>
    %dma_wait3A_501 = tpu.memref_squeeze %dma_wait3A_500 : memref<1x128x64xf32, #tpu.memory_space<vmem>> -> memref<128x64xf32, #tpu.memory_space<vmem>>
    tpu.wait_dma2 semaphore(%arg16 : memref<!tpu.dma_semaphore, #tpu.memory_space<semaphore_mem>>) src(%dma_wait3A_501 : memref<128x64xf32, #tpu.memory_space<vmem>>) dst(%dma_wait3A_497 : memref<128x64xf32, #tpu.memory_space<hbm>>)
    %dma_wait3A_502 = arith.constant 1 : i32
    %dma_wait3A_503 = arith.constant 0 : i32
    %dma_wait3A_504 = arith.constant 0 : i32
    %dma_wait3A_505 = tpu.memref_slice %arg11[%dma_wait3A_502, %dma_wait3A_503, %dma_wait3A_504] : memref<2x128x64xf32, #tpu.memory_space<vmem>> -> memref<1x128x64xf32, #tpu.memory_space<vmem>>
    %dma_wait3A_506 = tpu.memref_squeeze %dma_wait3A_505 : memref<1x128x64xf32, #tpu.memory_space<vmem>> -> memref<128x64xf32, #tpu.memory_space<vmem>>
    %dma_wait3A_507 = arith.constant 64 : i32
    %dma_wait3A_508 = tpu.memref_slice %arg6[%add3A_358, %dma_wait3A_507] : memref<16384x128xf32, #tpu.memory_space<hbm>> -> memref<128x64xf32, #tpu.memory_space<hbm>>
    %dma_wait3A_509 = arith.constant 64 : i32
    %dma_wait3A_510 = tpu.memref_slice %arg6[%add3A_358, %dma_wait3A_509] : memref<16384x128xf32, #tpu.memory_space<hbm>> -> memref<128x64xf32, #tpu.memory_space<hbm>>
    %dma_wait3A_511 = arith.constant 0 : i32
    %dma_wait3A_512 = arith.constant 0 : i32
    %dma_wait3A_513 = tpu.memref_slice %arg11[%dma_wait3A_502, %dma_wait3A_511, %dma_wait3A_512] : memref<2x128x64xf32, #tpu.memory_space<vmem>> -> memref<1x128x64xf32, #tpu.memory_space<vmem>>
    %dma_wait3A_514 = tpu.memref_squeeze %dma_wait3A_513 : memref<1x128x64xf32, #tpu.memory_space<vmem>> -> memref<128x64xf32, #tpu.memory_space<vmem>>
    tpu.wait_dma2 semaphore(%arg16 : memref<!tpu.dma_semaphore, #tpu.memory_space<semaphore_mem>>) src(%dma_wait3A_514 : memref<128x64xf32, #tpu.memory_space<vmem>>) dst(%dma_wait3A_510 : memref<128x64xf32, #tpu.memory_space<hbm>>)
    %dma_wait3A_515 = arith.constant 1 : i32
    %dma_wait3A_516 = arith.constant 0 : i32
    %dma_wait3A_517 = arith.constant 0 : i32
    %dma_wait3A_518 = tpu.memref_slice %arg10[%dma_wait3A_515, %dma_wait3A_516, %dma_wait3A_517] : memref<2x128x64xf32, #tpu.memory_space<vmem>> -> memref<1x128x64xf32, #tpu.memory_space<vmem>>
    %dma_wait3A_519 = tpu.memref_squeeze %dma_wait3A_518 : memref<1x128x64xf32, #tpu.memory_space<vmem>> -> memref<128x64xf32, #tpu.memory_space<vmem>>
    %dma_wait3A_520 = arith.constant 0 : i32
    %dma_wait3A_521 = tpu.memref_slice %arg7[%add3A_358, %dma_wait3A_520] : memref<16384x128xf32, #tpu.memory_space<hbm>> -> memref<128x64xf32, #tpu.memory_space<hbm>>
    %dma_wait3A_522 = arith.constant 0 : i32
    %dma_wait3A_523 = tpu.memref_slice %arg7[%add3A_358, %dma_wait3A_522] : memref<16384x128xf32, #tpu.memory_space<hbm>> -> memref<128x64xf32, #tpu.memory_space<hbm>>
    %dma_wait3A_524 = arith.constant 0 : i32
    %dma_wait3A_525 = arith.constant 0 : i32
    %dma_wait3A_526 = tpu.memref_slice %arg10[%dma_wait3A_515, %dma_wait3A_524, %dma_wait3A_525] : memref<2x128x64xf32, #tpu.memory_space<vmem>> -> memref<1x128x64xf32, #tpu.memory_space<vmem>>
    %dma_wait3A_527 = tpu.memref_squeeze %dma_wait3A_526 : memref<1x128x64xf32, #tpu.memory_space<vmem>> -> memref<128x64xf32, #tpu.memory_space<vmem>>
    tpu.wait_dma2 semaphore(%arg16 : memref<!tpu.dma_semaphore, #tpu.memory_space<semaphore_mem>>) src(%dma_wait3A_527 : memref<128x64xf32, #tpu.memory_space<vmem>>) dst(%dma_wait3A_523 : memref<128x64xf32, #tpu.memory_space<hbm>>)
    %dma_wait3A_528 = arith.constant 1 : i32
    %dma_wait3A_529 = arith.constant 0 : i32
    %dma_wait3A_530 = arith.constant 0 : i32
    %dma_wait3A_531 = tpu.memref_slice %arg12[%dma_wait3A_528, %dma_wait3A_529, %dma_wait3A_530] : memref<2x128x64xf32, #tpu.memory_space<vmem>> -> memref<1x128x64xf32, #tpu.memory_space<vmem>>
    %dma_wait3A_532 = tpu.memref_squeeze %dma_wait3A_531 : memref<1x128x64xf32, #tpu.memory_space<vmem>> -> memref<128x64xf32, #tpu.memory_space<vmem>>
    %dma_wait3A_533 = arith.constant 64 : i32
    %dma_wait3A_534 = tpu.memref_slice %arg7[%add3A_358, %dma_wait3A_533] : memref<16384x128xf32, #tpu.memory_space<hbm>> -> memref<128x64xf32, #tpu.memory_space<hbm>>
    %dma_wait3A_535 = arith.constant 64 : i32
    %dma_wait3A_536 = tpu.memref_slice %arg7[%add3A_358, %dma_wait3A_535] : memref<16384x128xf32, #tpu.memory_space<hbm>> -> memref<128x64xf32, #tpu.memory_space<hbm>>
    %dma_wait3A_537 = arith.constant 0 : i32
    %dma_wait3A_538 = arith.constant 0 : i32
    %dma_wait3A_539 = tpu.memref_slice %arg12[%dma_wait3A_528, %dma_wait3A_537, %dma_wait3A_538] : memref<2x128x64xf32, #tpu.memory_space<vmem>> -> memref<1x128x64xf32, #tpu.memory_space<vmem>>
    %dma_wait3A_540 = tpu.memref_squeeze %dma_wait3A_539 : memref<1x128x64xf32, #tpu.memory_space<vmem>> -> memref<128x64xf32, #tpu.memory_space<vmem>>
    tpu.wait_dma2 semaphore(%arg16 : memref<!tpu.dma_semaphore, #tpu.memory_space<semaphore_mem>>) src(%dma_wait3A_540 : memref<128x64xf32, #tpu.memory_space<vmem>>) dst(%dma_wait3A_536 : memref<128x64xf32, #tpu.memory_space<hbm>>)
    %mul3A_541 = arith.constant 512 : i32
    %mul3A_542 = arith.muli %add3A, %mul3A_541 : i32
    %add3A_543 = arith.constant 384 : i32
    %add3A_544 = arith.addi %mul3A_542, %add3A_543 : i32
    %run_scoped3A_545 = arith.constant 1 : i32
    "tpu.region"() ({
      %run_scoped3A_970 = tpu.sem_alloc : memref<!tpu.dma_semaphore, #tpu.memory_space<semaphore_mem>>
      %dma_start3A_971 = arith.constant 0 : i32
      %dma_start3A_972 = arith.constant 0 : i32
      %dma_start3A_973 = tpu.memref_slice %arg8[%run_scoped3A_545, %dma_start3A_971, %dma_start3A_972] : memref<2x4x128xi32, #tpu.memory_space<vmem>> -> memref<1x4x128xi32, #tpu.memory_space<vmem>>
      %dma_start3A_974 = tpu.memref_squeeze %dma_start3A_973 : memref<1x4x128xi32, #tpu.memory_space<vmem>> -> memref<4x128xi32, #tpu.memory_space<vmem>>
      %dma_start3A_975 = arith.constant 0 : i32
      %dma_start3A_976 = tpu.memref_slice %arg2[%dma_start3A_975, %add3A_544] : memref<4x16384xi32, #tpu.memory_space<hbm>> -> memref<4x128xi32, #tpu.memory_space<hbm>>
      %dma_start3A_977 = arith.constant 0 : i32
      %dma_start3A_978 = arith.constant 0 : i32
      %dma_start3A_979 = tpu.memref_slice %arg8[%run_scoped3A_545, %dma_start3A_977, %dma_start3A_978] : memref<2x4x128xi32, #tpu.memory_space<vmem>> -> memref<1x4x128xi32, #tpu.memory_space<vmem>>
      %dma_start3A_980 = tpu.memref_squeeze %dma_start3A_979 : memref<1x4x128xi32, #tpu.memory_space<vmem>> -> memref<4x128xi32, #tpu.memory_space<vmem>>
      %dma_start3A_981 = arith.constant 0 : i32
      %dma_start3A_982 = tpu.memref_slice %arg2[%dma_start3A_981, %add3A_544] : memref<4x16384xi32, #tpu.memory_space<hbm>> -> memref<4x128xi32, #tpu.memory_space<hbm>>
      tpu.enqueue_dma source(%dma_start3A_982 : memref<4x128xi32, #tpu.memory_space<hbm>>) target(%dma_start3A_980 : memref<4x128xi32, #tpu.memory_space<vmem>>) target_semaphore(%run_scoped3A_970 : memref<!tpu.dma_semaphore, #tpu.memory_space<semaphore_mem>>)
      %dma_wait3A_983 = arith.constant 0 : i32
      %dma_wait3A_984 = arith.constant 0 : i32
      %dma_wait3A_985 = tpu.memref_slice %arg8[%run_scoped3A_545, %dma_wait3A_983, %dma_wait3A_984] : memref<2x4x128xi32, #tpu.memory_space<vmem>> -> memref<1x4x128xi32, #tpu.memory_space<vmem>>
      %dma_wait3A_986 = tpu.memref_squeeze %dma_wait3A_985 : memref<1x4x128xi32, #tpu.memory_space<vmem>> -> memref<4x128xi32, #tpu.memory_space<vmem>>
      %dma_wait3A_987 = arith.constant 0 : i32
      %dma_wait3A_988 = tpu.memref_slice %arg2[%dma_wait3A_987, %add3A_544] : memref<4x16384xi32, #tpu.memory_space<hbm>> -> memref<4x128xi32, #tpu.memory_space<hbm>>
      %dma_wait3A_989 = arith.constant 0 : i32
      %dma_wait3A_990 = arith.constant 0 : i32
      %dma_wait3A_991 = tpu.memref_slice %arg8[%run_scoped3A_545, %dma_wait3A_989, %dma_wait3A_990] : memref<2x4x128xi32, #tpu.memory_space<vmem>> -> memref<1x4x128xi32, #tpu.memory_space<vmem>>
      %dma_wait3A_992 = tpu.memref_squeeze %dma_wait3A_991 : memref<1x4x128xi32, #tpu.memory_space<vmem>> -> memref<4x128xi32, #tpu.memory_space<vmem>>
      %dma_wait3A_993 = arith.constant 0 : i32
      %dma_wait3A_994 = tpu.memref_slice %arg2[%dma_wait3A_993, %add3A_544] : memref<4x16384xi32, #tpu.memory_space<hbm>> -> memref<4x128xi32, #tpu.memory_space<hbm>>
      tpu.wait_dma2 semaphore(%run_scoped3A_970 : memref<!tpu.dma_semaphore, #tpu.memory_space<semaphore_mem>>) src(%dma_wait3A_994 : memref<4x128xi32, #tpu.memory_space<hbm>>) dst(%dma_wait3A_992 : memref<4x128xi32, #tpu.memory_space<vmem>>)
      tpu.yield
    }) : () -> ()
    %dma_start3A_546 = arith.constant 1 : i32
    %dma_start3A_547 = arith.constant 0 : i32
    %dma_start3A_548 = arith.constant 1 : i32
    %dma_start3A_549 = arith.constant 0 : i32
    %dma_start3A_550 = arith.constant 0 : i32
    %dma_start3A_551 = tpu.memref_slice %arg10[%dma_start3A_548, %dma_start3A_549, %dma_start3A_550] : memref<2x128x64xf32, #tpu.memory_space<vmem>> -> memref<1x128x64xf32, #tpu.memory_space<vmem>>
    %dma_start3A_552 = tpu.memref_squeeze %dma_start3A_551 : memref<1x128x64xf32, #tpu.memory_space<vmem>> -> memref<128x64xf32, #tpu.memory_space<vmem>>
    %dma_start3A_553 = arith.constant 0 : i32
    %dma_start3A_554 = tpu.memref_slice %arg8[%dma_start3A_546, %dma_start3A_547, %dma_start3A_553] : memref<2x4x128xi32, #tpu.memory_space<vmem>> -> memref<1x1x128xi32, #tpu.memory_space<vmem>>
    %dma_start3A_555 = tpu.memref_squeeze %dma_start3A_554 : memref<1x1x128xi32, #tpu.memory_space<vmem>> -> memref<128xi32, #tpu.memory_space<vmem>>
    %dma_start3A_556 = arith.constant 0 : i32
    %dma_start3A_557 = arith.constant 0 : i32
    %dma_start3A_558 = tpu.memref_slice %arg3[%dma_start3A_556, %dma_start3A_557] : memref<1015808x64xf32, #tpu.memory_space<hbm>> -> memref<1015808x64xf32, #tpu.memory_space<hbm>>
    tpu.enqueue_indirect_dma source(%dma_start3A_558 : memref<1015808x64xf32, #tpu.memory_space<hbm>>) target(%dma_start3A_552 : memref<128x64xf32, #tpu.memory_space<vmem>>) offsets(%dma_start3A_555 : memref<128xi32, #tpu.memory_space<vmem>>) semaphore(%arg14 : memref<!tpu.dma_semaphore, #tpu.memory_space<semaphore_mem>>)
    %dma_start3A_559 = arith.constant 1 : i32
    %dma_start3A_560 = arith.constant 1 : i32
    %dma_start3A_561 = arith.constant 1 : i32
    %dma_start3A_562 = arith.constant 0 : i32
    %dma_start3A_563 = arith.constant 0 : i32
    %dma_start3A_564 = tpu.memref_slice %arg11[%dma_start3A_561, %dma_start3A_562, %dma_start3A_563] : memref<2x128x64xf32, #tpu.memory_space<vmem>> -> memref<1x128x64xf32, #tpu.memory_space<vmem>>
    %dma_start3A_565 = tpu.memref_squeeze %dma_start3A_564 : memref<1x128x64xf32, #tpu.memory_space<vmem>> -> memref<128x64xf32, #tpu.memory_space<vmem>>
    %dma_start3A_566 = arith.constant 0 : i32
    %dma_start3A_567 = tpu.memref_slice %arg8[%dma_start3A_559, %dma_start3A_560, %dma_start3A_566] : memref<2x4x128xi32, #tpu.memory_space<vmem>> -> memref<1x1x128xi32, #tpu.memory_space<vmem>>
    %dma_start3A_568 = tpu.memref_squeeze %dma_start3A_567 : memref<1x1x128xi32, #tpu.memory_space<vmem>> -> memref<128xi32, #tpu.memory_space<vmem>>
    %dma_start3A_569 = arith.constant 0 : i32
    %dma_start3A_570 = arith.constant 0 : i32
    %dma_start3A_571 = tpu.memref_slice %arg3[%dma_start3A_569, %dma_start3A_570] : memref<1015808x64xf32, #tpu.memory_space<hbm>> -> memref<1015808x64xf32, #tpu.memory_space<hbm>>
    tpu.enqueue_indirect_dma source(%dma_start3A_571 : memref<1015808x64xf32, #tpu.memory_space<hbm>>) target(%dma_start3A_565 : memref<128x64xf32, #tpu.memory_space<vmem>>) offsets(%dma_start3A_568 : memref<128xi32, #tpu.memory_space<vmem>>) semaphore(%arg14 : memref<!tpu.dma_semaphore, #tpu.memory_space<semaphore_mem>>)
    %dma_start3A_572 = arith.constant 1 : i32
    %dma_start3A_573 = arith.constant 2 : i32
    %dma_start3A_574 = arith.constant 1 : i32
    %dma_start3A_575 = arith.constant 0 : i32
    %dma_start3A_576 = arith.constant 0 : i32
    %dma_start3A_577 = tpu.memref_slice %arg12[%dma_start3A_574, %dma_start3A_575, %dma_start3A_576] : memref<2x128x64xf32, #tpu.memory_space<vmem>> -> memref<1x128x64xf32, #tpu.memory_space<vmem>>
    %dma_start3A_578 = tpu.memref_squeeze %dma_start3A_577 : memref<1x128x64xf32, #tpu.memory_space<vmem>> -> memref<128x64xf32, #tpu.memory_space<vmem>>
    %dma_start3A_579 = arith.constant 0 : i32
    %dma_start3A_580 = tpu.memref_slice %arg8[%dma_start3A_572, %dma_start3A_573, %dma_start3A_579] : memref<2x4x128xi32, #tpu.memory_space<vmem>> -> memref<1x1x128xi32, #tpu.memory_space<vmem>>
    %dma_start3A_581 = tpu.memref_squeeze %dma_start3A_580 : memref<1x1x128xi32, #tpu.memory_space<vmem>> -> memref<128xi32, #tpu.memory_space<vmem>>
    %dma_start3A_582 = arith.constant 0 : i32
    %dma_start3A_583 = arith.constant 0 : i32
    %dma_start3A_584 = tpu.memref_slice %arg3[%dma_start3A_582, %dma_start3A_583] : memref<1015808x64xf32, #tpu.memory_space<hbm>> -> memref<1015808x64xf32, #tpu.memory_space<hbm>>
    tpu.enqueue_indirect_dma source(%dma_start3A_584 : memref<1015808x64xf32, #tpu.memory_space<hbm>>) target(%dma_start3A_578 : memref<128x64xf32, #tpu.memory_space<vmem>>) offsets(%dma_start3A_581 : memref<128xi32, #tpu.memory_space<vmem>>) semaphore(%arg14 : memref<!tpu.dma_semaphore, #tpu.memory_space<semaphore_mem>>)
    %dma_start3A_585 = arith.constant 1 : i32
    %dma_start3A_586 = arith.constant 3 : i32
    %dma_start3A_587 = arith.constant 1 : i32
    %dma_start3A_588 = arith.constant 0 : i32
    %dma_start3A_589 = arith.constant 0 : i32
    %dma_start3A_590 = tpu.memref_slice %arg9[%dma_start3A_587, %dma_start3A_588, %dma_start3A_589] : memref<2x128x128xf32, #tpu.memory_space<vmem>> -> memref<1x128x128xf32, #tpu.memory_space<vmem>>
    %dma_start3A_591 = tpu.memref_squeeze %dma_start3A_590 : memref<1x128x128xf32, #tpu.memory_space<vmem>> -> memref<128x128xf32, #tpu.memory_space<vmem>>
    %dma_start3A_592 = arith.constant 0 : i32
    %dma_start3A_593 = tpu.memref_slice %arg8[%dma_start3A_585, %dma_start3A_586, %dma_start3A_592] : memref<2x4x128xi32, #tpu.memory_space<vmem>> -> memref<1x1x128xi32, #tpu.memory_space<vmem>>
    %dma_start3A_594 = tpu.memref_squeeze %dma_start3A_593 : memref<1x1x128xi32, #tpu.memory_space<vmem>> -> memref<128xi32, #tpu.memory_space<vmem>>
    %dma_start3A_595 = arith.constant 0 : i32
    %dma_start3A_596 = arith.constant 0 : i32
    %dma_start3A_597 = tpu.memref_slice %arg4[%dma_start3A_595, %dma_start3A_596] : memref<100000x128xf32, #tpu.memory_space<hbm>> -> memref<100000x128xf32, #tpu.memory_space<hbm>>
    tpu.enqueue_indirect_dma source(%dma_start3A_597 : memref<100000x128xf32, #tpu.memory_space<hbm>>) target(%dma_start3A_591 : memref<128x128xf32, #tpu.memory_space<vmem>>) offsets(%dma_start3A_594 : memref<128xi32, #tpu.memory_space<vmem>>) semaphore(%arg14 : memref<!tpu.dma_semaphore, #tpu.memory_space<semaphore_mem>>)
    %mul3A_598 = arith.constant 512 : i32
    %mul3A_599 = arith.muli %add3A, %mul3A_598 : i32
    %add3A_600 = arith.constant 256 : i32
    %add3A_601 = arith.addi %mul3A_599, %add3A_600 : i32
    %dma_wait3A_602 = arith.constant 0 : i32
    %dma_wait3A_603 = arith.constant 0 : i32
    %dma_wait3A_604 = arith.constant 0 : i32
    %dma_wait3A_605 = arith.constant 0 : i32
    %dma_wait3A_606 = arith.constant 0 : i32
    %dma_wait3A_607 = tpu.memref_slice %arg10[%dma_wait3A_604, %dma_wait3A_605, %dma_wait3A_606] : memref<2x128x64xf32, #tpu.memory_space<vmem>> -> memref<1x128x64xf32, #tpu.memory_space<vmem>>
    %dma_wait3A_608 = tpu.memref_squeeze %dma_wait3A_607 : memref<1x128x64xf32, #tpu.memory_space<vmem>> -> memref<128x64xf32, #tpu.memory_space<vmem>>
    %dma_wait3A_609 = arith.constant 0 : i32
    %dma_wait3A_610 = tpu.memref_slice %arg8[%dma_wait3A_602, %dma_wait3A_603, %dma_wait3A_609] : memref<2x4x128xi32, #tpu.memory_space<vmem>> -> memref<1x1x128xi32, #tpu.memory_space<vmem>>
    %dma_wait3A_611 = tpu.memref_squeeze %dma_wait3A_610 : memref<1x1x128xi32, #tpu.memory_space<vmem>> -> memref<128xi32, #tpu.memory_space<vmem>>
    %dma_wait3A_612 = arith.constant 0 : i32
    %dma_wait3A_613 = arith.constant 0 : i32
    %dma_wait3A_614 = tpu.memref_slice %arg3[%dma_wait3A_612, %dma_wait3A_613] : memref<1015808x64xf32, #tpu.memory_space<hbm>> -> memref<1015808x64xf32, #tpu.memory_space<hbm>>
    tpu.wait_indirect_dma semaphore(%arg13 : memref<!tpu.dma_semaphore, #tpu.memory_space<semaphore_mem>>) src(%dma_wait3A_614 : memref<1015808x64xf32, #tpu.memory_space<hbm>>) dst(%dma_wait3A_608 : memref<128x64xf32, #tpu.memory_space<vmem>>)
    %dma_wait3A_615 = arith.constant 0 : i32
    %dma_wait3A_616 = arith.constant 1 : i32
    %dma_wait3A_617 = arith.constant 0 : i32
    %dma_wait3A_618 = arith.constant 0 : i32
    %dma_wait3A_619 = arith.constant 0 : i32
    %dma_wait3A_620 = tpu.memref_slice %arg11[%dma_wait3A_617, %dma_wait3A_618, %dma_wait3A_619] : memref<2x128x64xf32, #tpu.memory_space<vmem>> -> memref<1x128x64xf32, #tpu.memory_space<vmem>>
    %dma_wait3A_621 = tpu.memref_squeeze %dma_wait3A_620 : memref<1x128x64xf32, #tpu.memory_space<vmem>> -> memref<128x64xf32, #tpu.memory_space<vmem>>
    %dma_wait3A_622 = arith.constant 0 : i32
    %dma_wait3A_623 = tpu.memref_slice %arg8[%dma_wait3A_615, %dma_wait3A_616, %dma_wait3A_622] : memref<2x4x128xi32, #tpu.memory_space<vmem>> -> memref<1x1x128xi32, #tpu.memory_space<vmem>>
    %dma_wait3A_624 = tpu.memref_squeeze %dma_wait3A_623 : memref<1x1x128xi32, #tpu.memory_space<vmem>> -> memref<128xi32, #tpu.memory_space<vmem>>
    %dma_wait3A_625 = arith.constant 0 : i32
    %dma_wait3A_626 = arith.constant 0 : i32
    %dma_wait3A_627 = tpu.memref_slice %arg3[%dma_wait3A_625, %dma_wait3A_626] : memref<1015808x64xf32, #tpu.memory_space<hbm>> -> memref<1015808x64xf32, #tpu.memory_space<hbm>>
    tpu.wait_indirect_dma semaphore(%arg13 : memref<!tpu.dma_semaphore, #tpu.memory_space<semaphore_mem>>) src(%dma_wait3A_627 : memref<1015808x64xf32, #tpu.memory_space<hbm>>) dst(%dma_wait3A_621 : memref<128x64xf32, #tpu.memory_space<vmem>>)
    %dma_wait3A_628 = arith.constant 0 : i32
    %dma_wait3A_629 = arith.constant 2 : i32
    %dma_wait3A_630 = arith.constant 0 : i32
    %dma_wait3A_631 = arith.constant 0 : i32
    %dma_wait3A_632 = arith.constant 0 : i32
    %dma_wait3A_633 = tpu.memref_slice %arg12[%dma_wait3A_630, %dma_wait3A_631, %dma_wait3A_632] : memref<2x128x64xf32, #tpu.memory_space<vmem>> -> memref<1x128x64xf32, #tpu.memory_space<vmem>>
    %dma_wait3A_634 = tpu.memref_squeeze %dma_wait3A_633 : memref<1x128x64xf32, #tpu.memory_space<vmem>> -> memref<128x64xf32, #tpu.memory_space<vmem>>
    %dma_wait3A_635 = arith.constant 0 : i32
    %dma_wait3A_636 = tpu.memref_slice %arg8[%dma_wait3A_628, %dma_wait3A_629, %dma_wait3A_635] : memref<2x4x128xi32, #tpu.memory_space<vmem>> -> memref<1x1x128xi32, #tpu.memory_space<vmem>>
    %dma_wait3A_637 = tpu.memref_squeeze %dma_wait3A_636 : memref<1x1x128xi32, #tpu.memory_space<vmem>> -> memref<128xi32, #tpu.memory_space<vmem>>
    %dma_wait3A_638 = arith.constant 0 : i32
    %dma_wait3A_639 = arith.constant 0 : i32
    %dma_wait3A_640 = tpu.memref_slice %arg3[%dma_wait3A_638, %dma_wait3A_639] : memref<1015808x64xf32, #tpu.memory_space<hbm>> -> memref<1015808x64xf32, #tpu.memory_space<hbm>>
    tpu.wait_indirect_dma semaphore(%arg13 : memref<!tpu.dma_semaphore, #tpu.memory_space<semaphore_mem>>) src(%dma_wait3A_640 : memref<1015808x64xf32, #tpu.memory_space<hbm>>) dst(%dma_wait3A_634 : memref<128x64xf32, #tpu.memory_space<vmem>>)
    %dma_wait3A_641 = arith.constant 0 : i32
    %dma_wait3A_642 = arith.constant 3 : i32
    %dma_wait3A_643 = arith.constant 0 : i32
    %dma_wait3A_644 = arith.constant 0 : i32
    %dma_wait3A_645 = arith.constant 0 : i32
    %dma_wait3A_646 = tpu.memref_slice %arg9[%dma_wait3A_643, %dma_wait3A_644, %dma_wait3A_645] : memref<2x128x128xf32, #tpu.memory_space<vmem>> -> memref<1x128x128xf32, #tpu.memory_space<vmem>>
    %dma_wait3A_647 = tpu.memref_squeeze %dma_wait3A_646 : memref<1x128x128xf32, #tpu.memory_space<vmem>> -> memref<128x128xf32, #tpu.memory_space<vmem>>
    %dma_wait3A_648 = arith.constant 0 : i32
    %dma_wait3A_649 = tpu.memref_slice %arg8[%dma_wait3A_641, %dma_wait3A_642, %dma_wait3A_648] : memref<2x4x128xi32, #tpu.memory_space<vmem>> -> memref<1x1x128xi32, #tpu.memory_space<vmem>>
    %dma_wait3A_650 = tpu.memref_squeeze %dma_wait3A_649 : memref<1x1x128xi32, #tpu.memory_space<vmem>> -> memref<128xi32, #tpu.memory_space<vmem>>
    %dma_wait3A_651 = arith.constant 0 : i32
    %dma_wait3A_652 = arith.constant 0 : i32
    %dma_wait3A_653 = tpu.memref_slice %arg4[%dma_wait3A_651, %dma_wait3A_652] : memref<100000x128xf32, #tpu.memory_space<hbm>> -> memref<100000x128xf32, #tpu.memory_space<hbm>>
    tpu.wait_indirect_dma semaphore(%arg13 : memref<!tpu.dma_semaphore, #tpu.memory_space<semaphore_mem>>) src(%dma_wait3A_653 : memref<100000x128xf32, #tpu.memory_space<hbm>>) dst(%dma_wait3A_647 : memref<128x128xf32, #tpu.memory_space<vmem>>)
    %dma_start3A_654 = arith.constant 0 : i32
    %dma_start3A_655 = arith.constant 0 : i32
    %dma_start3A_656 = arith.constant 0 : i32
    %dma_start3A_657 = tpu.memref_slice %arg9[%dma_start3A_654, %dma_start3A_655, %dma_start3A_656] : memref<2x128x128xf32, #tpu.memory_space<vmem>> -> memref<1x128x128xf32, #tpu.memory_space<vmem>>
    %dma_start3A_658 = tpu.memref_squeeze %dma_start3A_657 : memref<1x128x128xf32, #tpu.memory_space<vmem>> -> memref<128x128xf32, #tpu.memory_space<vmem>>
    %dma_start3A_659 = arith.constant 0 : i32
    %dma_start3A_660 = tpu.memref_slice %arg5[%add3A_601, %dma_start3A_659] : memref<16384x128xf32, #tpu.memory_space<hbm>> -> memref<128x128xf32, #tpu.memory_space<hbm>>
    %dma_start3A_661 = arith.constant 0 : i32
    %dma_start3A_662 = tpu.memref_slice %arg5[%add3A_601, %dma_start3A_661] : memref<16384x128xf32, #tpu.memory_space<hbm>> -> memref<128x128xf32, #tpu.memory_space<hbm>>
    %dma_start3A_663 = arith.constant 0 : i32
    %dma_start3A_664 = arith.constant 0 : i32
    %dma_start3A_665 = tpu.memref_slice %arg9[%dma_start3A_654, %dma_start3A_663, %dma_start3A_664] : memref<2x128x128xf32, #tpu.memory_space<vmem>> -> memref<1x128x128xf32, #tpu.memory_space<vmem>>
    %dma_start3A_666 = tpu.memref_squeeze %dma_start3A_665 : memref<1x128x128xf32, #tpu.memory_space<vmem>> -> memref<128x128xf32, #tpu.memory_space<vmem>>
    tpu.enqueue_dma source(%dma_start3A_666 : memref<128x128xf32, #tpu.memory_space<vmem>>) target(%dma_start3A_662 : memref<128x128xf32, #tpu.memory_space<hbm>>) target_semaphore(%arg15 : memref<!tpu.dma_semaphore, #tpu.memory_space<semaphore_mem>>)
    %dma_start3A_667 = arith.constant 0 : i32
    %dma_start3A_668 = arith.constant 0 : i32
    %dma_start3A_669 = arith.constant 0 : i32
    %dma_start3A_670 = tpu.memref_slice %arg10[%dma_start3A_667, %dma_start3A_668, %dma_start3A_669] : memref<2x128x64xf32, #tpu.memory_space<vmem>> -> memref<1x128x64xf32, #tpu.memory_space<vmem>>
    %dma_start3A_671 = tpu.memref_squeeze %dma_start3A_670 : memref<1x128x64xf32, #tpu.memory_space<vmem>> -> memref<128x64xf32, #tpu.memory_space<vmem>>
    %dma_start3A_672 = arith.constant 0 : i32
    %dma_start3A_673 = tpu.memref_slice %arg6[%add3A_601, %dma_start3A_672] : memref<16384x128xf32, #tpu.memory_space<hbm>> -> memref<128x64xf32, #tpu.memory_space<hbm>>
    %dma_start3A_674 = arith.constant 0 : i32
    %dma_start3A_675 = tpu.memref_slice %arg6[%add3A_601, %dma_start3A_674] : memref<16384x128xf32, #tpu.memory_space<hbm>> -> memref<128x64xf32, #tpu.memory_space<hbm>>
    %dma_start3A_676 = arith.constant 0 : i32
    %dma_start3A_677 = arith.constant 0 : i32
    %dma_start3A_678 = tpu.memref_slice %arg10[%dma_start3A_667, %dma_start3A_676, %dma_start3A_677] : memref<2x128x64xf32, #tpu.memory_space<vmem>> -> memref<1x128x64xf32, #tpu.memory_space<vmem>>
    %dma_start3A_679 = tpu.memref_squeeze %dma_start3A_678 : memref<1x128x64xf32, #tpu.memory_space<vmem>> -> memref<128x64xf32, #tpu.memory_space<vmem>>
    tpu.enqueue_dma source(%dma_start3A_679 : memref<128x64xf32, #tpu.memory_space<vmem>>) target(%dma_start3A_675 : memref<128x64xf32, #tpu.memory_space<hbm>>) target_semaphore(%arg15 : memref<!tpu.dma_semaphore, #tpu.memory_space<semaphore_mem>>)
    %dma_start3A_680 = arith.constant 0 : i32
    %dma_start3A_681 = arith.constant 0 : i32
    %dma_start3A_682 = arith.constant 0 : i32
    %dma_start3A_683 = tpu.memref_slice %arg11[%dma_start3A_680, %dma_start3A_681, %dma_start3A_682] : memref<2x128x64xf32, #tpu.memory_space<vmem>> -> memref<1x128x64xf32, #tpu.memory_space<vmem>>
    %dma_start3A_684 = tpu.memref_squeeze %dma_start3A_683 : memref<1x128x64xf32, #tpu.memory_space<vmem>> -> memref<128x64xf32, #tpu.memory_space<vmem>>
    %dma_start3A_685 = arith.constant 64 : i32
    %dma_start3A_686 = tpu.memref_slice %arg6[%add3A_601, %dma_start3A_685] : memref<16384x128xf32, #tpu.memory_space<hbm>> -> memref<128x64xf32, #tpu.memory_space<hbm>>
    %dma_start3A_687 = arith.constant 64 : i32
    %dma_start3A_688 = tpu.memref_slice %arg6[%add3A_601, %dma_start3A_687] : memref<16384x128xf32, #tpu.memory_space<hbm>> -> memref<128x64xf32, #tpu.memory_space<hbm>>
    %dma_start3A_689 = arith.constant 0 : i32
    %dma_start3A_690 = arith.constant 0 : i32
    %dma_start3A_691 = tpu.memref_slice %arg11[%dma_start3A_680, %dma_start3A_689, %dma_start3A_690] : memref<2x128x64xf32, #tpu.memory_space<vmem>> -> memref<1x128x64xf32, #tpu.memory_space<vmem>>
    %dma_start3A_692 = tpu.memref_squeeze %dma_start3A_691 : memref<1x128x64xf32, #tpu.memory_space<vmem>> -> memref<128x64xf32, #tpu.memory_space<vmem>>
    tpu.enqueue_dma source(%dma_start3A_692 : memref<128x64xf32, #tpu.memory_space<vmem>>) target(%dma_start3A_688 : memref<128x64xf32, #tpu.memory_space<hbm>>) target_semaphore(%arg15 : memref<!tpu.dma_semaphore, #tpu.memory_space<semaphore_mem>>)
    %dma_start3A_693 = arith.constant 0 : i32
    %dma_start3A_694 = arith.constant 0 : i32
    %dma_start3A_695 = arith.constant 0 : i32
    %dma_start3A_696 = tpu.memref_slice %arg10[%dma_start3A_693, %dma_start3A_694, %dma_start3A_695] : memref<2x128x64xf32, #tpu.memory_space<vmem>> -> memref<1x128x64xf32, #tpu.memory_space<vmem>>
    %dma_start3A_697 = tpu.memref_squeeze %dma_start3A_696 : memref<1x128x64xf32, #tpu.memory_space<vmem>> -> memref<128x64xf32, #tpu.memory_space<vmem>>
    %dma_start3A_698 = arith.constant 0 : i32
    %dma_start3A_699 = tpu.memref_slice %arg7[%add3A_601, %dma_start3A_698] : memref<16384x128xf32, #tpu.memory_space<hbm>> -> memref<128x64xf32, #tpu.memory_space<hbm>>
    %dma_start3A_700 = arith.constant 0 : i32
    %dma_start3A_701 = tpu.memref_slice %arg7[%add3A_601, %dma_start3A_700] : memref<16384x128xf32, #tpu.memory_space<hbm>> -> memref<128x64xf32, #tpu.memory_space<hbm>>
    %dma_start3A_702 = arith.constant 0 : i32
    %dma_start3A_703 = arith.constant 0 : i32
    %dma_start3A_704 = tpu.memref_slice %arg10[%dma_start3A_693, %dma_start3A_702, %dma_start3A_703] : memref<2x128x64xf32, #tpu.memory_space<vmem>> -> memref<1x128x64xf32, #tpu.memory_space<vmem>>
    %dma_start3A_705 = tpu.memref_squeeze %dma_start3A_704 : memref<1x128x64xf32, #tpu.memory_space<vmem>> -> memref<128x64xf32, #tpu.memory_space<vmem>>
    tpu.enqueue_dma source(%dma_start3A_705 : memref<128x64xf32, #tpu.memory_space<vmem>>) target(%dma_start3A_701 : memref<128x64xf32, #tpu.memory_space<hbm>>) target_semaphore(%arg15 : memref<!tpu.dma_semaphore, #tpu.memory_space<semaphore_mem>>)
    %dma_start3A_706 = arith.constant 0 : i32
    %dma_start3A_707 = arith.constant 0 : i32
    %dma_start3A_708 = arith.constant 0 : i32
    %dma_start3A_709 = tpu.memref_slice %arg12[%dma_start3A_706, %dma_start3A_707, %dma_start3A_708] : memref<2x128x64xf32, #tpu.memory_space<vmem>> -> memref<1x128x64xf32, #tpu.memory_space<vmem>>
    %dma_start3A_710 = tpu.memref_squeeze %dma_start3A_709 : memref<1x128x64xf32, #tpu.memory_space<vmem>> -> memref<128x64xf32, #tpu.memory_space<vmem>>
    %dma_start3A_711 = arith.constant 64 : i32
    %dma_start3A_712 = tpu.memref_slice %arg7[%add3A_601, %dma_start3A_711] : memref<16384x128xf32, #tpu.memory_space<hbm>> -> memref<128x64xf32, #tpu.memory_space<hbm>>
    %dma_start3A_713 = arith.constant 64 : i32
    %dma_start3A_714 = tpu.memref_slice %arg7[%add3A_601, %dma_start3A_713] : memref<16384x128xf32, #tpu.memory_space<hbm>> -> memref<128x64xf32, #tpu.memory_space<hbm>>
    %dma_start3A_715 = arith.constant 0 : i32
    %dma_start3A_716 = arith.constant 0 : i32
    %dma_start3A_717 = tpu.memref_slice %arg12[%dma_start3A_706, %dma_start3A_715, %dma_start3A_716] : memref<2x128x64xf32, #tpu.memory_space<vmem>> -> memref<1x128x64xf32, #tpu.memory_space<vmem>>
    %dma_start3A_718 = tpu.memref_squeeze %dma_start3A_717 : memref<1x128x64xf32, #tpu.memory_space<vmem>> -> memref<128x64xf32, #tpu.memory_space<vmem>>
    tpu.enqueue_dma source(%dma_start3A_718 : memref<128x64xf32, #tpu.memory_space<vmem>>) target(%dma_start3A_714 : memref<128x64xf32, #tpu.memory_space<hbm>>) target_semaphore(%arg15 : memref<!tpu.dma_semaphore, #tpu.memory_space<semaphore_mem>>)
    %mul3A_719 = arith.constant 512 : i32
    %mul3A_720 = arith.muli %add3A, %mul3A_719 : i32
    %add3A_721 = arith.constant 384 : i32
    %add3A_722 = arith.addi %mul3A_720, %add3A_721 : i32
    %dma_wait3A_723 = arith.constant 1 : i32
    %dma_wait3A_724 = arith.constant 0 : i32
    %dma_wait3A_725 = arith.constant 1 : i32
    %dma_wait3A_726 = arith.constant 0 : i32
    %dma_wait3A_727 = arith.constant 0 : i32
    %dma_wait3A_728 = tpu.memref_slice %arg10[%dma_wait3A_725, %dma_wait3A_726, %dma_wait3A_727] : memref<2x128x64xf32, #tpu.memory_space<vmem>> -> memref<1x128x64xf32, #tpu.memory_space<vmem>>
    %dma_wait3A_729 = tpu.memref_squeeze %dma_wait3A_728 : memref<1x128x64xf32, #tpu.memory_space<vmem>> -> memref<128x64xf32, #tpu.memory_space<vmem>>
    %dma_wait3A_730 = arith.constant 0 : i32
    %dma_wait3A_731 = tpu.memref_slice %arg8[%dma_wait3A_723, %dma_wait3A_724, %dma_wait3A_730] : memref<2x4x128xi32, #tpu.memory_space<vmem>> -> memref<1x1x128xi32, #tpu.memory_space<vmem>>
    %dma_wait3A_732 = tpu.memref_squeeze %dma_wait3A_731 : memref<1x1x128xi32, #tpu.memory_space<vmem>> -> memref<128xi32, #tpu.memory_space<vmem>>
    %dma_wait3A_733 = arith.constant 0 : i32
    %dma_wait3A_734 = arith.constant 0 : i32
    %dma_wait3A_735 = tpu.memref_slice %arg3[%dma_wait3A_733, %dma_wait3A_734] : memref<1015808x64xf32, #tpu.memory_space<hbm>> -> memref<1015808x64xf32, #tpu.memory_space<hbm>>
    tpu.wait_indirect_dma semaphore(%arg14 : memref<!tpu.dma_semaphore, #tpu.memory_space<semaphore_mem>>) src(%dma_wait3A_735 : memref<1015808x64xf32, #tpu.memory_space<hbm>>) dst(%dma_wait3A_729 : memref<128x64xf32, #tpu.memory_space<vmem>>)
    %dma_wait3A_736 = arith.constant 1 : i32
    %dma_wait3A_737 = arith.constant 1 : i32
    %dma_wait3A_738 = arith.constant 1 : i32
    %dma_wait3A_739 = arith.constant 0 : i32
    %dma_wait3A_740 = arith.constant 0 : i32
    %dma_wait3A_741 = tpu.memref_slice %arg11[%dma_wait3A_738, %dma_wait3A_739, %dma_wait3A_740] : memref<2x128x64xf32, #tpu.memory_space<vmem>> -> memref<1x128x64xf32, #tpu.memory_space<vmem>>
    %dma_wait3A_742 = tpu.memref_squeeze %dma_wait3A_741 : memref<1x128x64xf32, #tpu.memory_space<vmem>> -> memref<128x64xf32, #tpu.memory_space<vmem>>
    %dma_wait3A_743 = arith.constant 0 : i32
    %dma_wait3A_744 = tpu.memref_slice %arg8[%dma_wait3A_736, %dma_wait3A_737, %dma_wait3A_743] : memref<2x4x128xi32, #tpu.memory_space<vmem>> -> memref<1x1x128xi32, #tpu.memory_space<vmem>>
    %dma_wait3A_745 = tpu.memref_squeeze %dma_wait3A_744 : memref<1x1x128xi32, #tpu.memory_space<vmem>> -> memref<128xi32, #tpu.memory_space<vmem>>
    %dma_wait3A_746 = arith.constant 0 : i32
    %dma_wait3A_747 = arith.constant 0 : i32
    %dma_wait3A_748 = tpu.memref_slice %arg3[%dma_wait3A_746, %dma_wait3A_747] : memref<1015808x64xf32, #tpu.memory_space<hbm>> -> memref<1015808x64xf32, #tpu.memory_space<hbm>>
    tpu.wait_indirect_dma semaphore(%arg14 : memref<!tpu.dma_semaphore, #tpu.memory_space<semaphore_mem>>) src(%dma_wait3A_748 : memref<1015808x64xf32, #tpu.memory_space<hbm>>) dst(%dma_wait3A_742 : memref<128x64xf32, #tpu.memory_space<vmem>>)
    %dma_wait3A_749 = arith.constant 1 : i32
    %dma_wait3A_750 = arith.constant 2 : i32
    %dma_wait3A_751 = arith.constant 1 : i32
    %dma_wait3A_752 = arith.constant 0 : i32
    %dma_wait3A_753 = arith.constant 0 : i32
    %dma_wait3A_754 = tpu.memref_slice %arg12[%dma_wait3A_751, %dma_wait3A_752, %dma_wait3A_753] : memref<2x128x64xf32, #tpu.memory_space<vmem>> -> memref<1x128x64xf32, #tpu.memory_space<vmem>>
    %dma_wait3A_755 = tpu.memref_squeeze %dma_wait3A_754 : memref<1x128x64xf32, #tpu.memory_space<vmem>> -> memref<128x64xf32, #tpu.memory_space<vmem>>
    %dma_wait3A_756 = arith.constant 0 : i32
    %dma_wait3A_757 = tpu.memref_slice %arg8[%dma_wait3A_749, %dma_wait3A_750, %dma_wait3A_756] : memref<2x4x128xi32, #tpu.memory_space<vmem>> -> memref<1x1x128xi32, #tpu.memory_space<vmem>>
    %dma_wait3A_758 = tpu.memref_squeeze %dma_wait3A_757 : memref<1x1x128xi32, #tpu.memory_space<vmem>> -> memref<128xi32, #tpu.memory_space<vmem>>
    %dma_wait3A_759 = arith.constant 0 : i32
    %dma_wait3A_760 = arith.constant 0 : i32
    %dma_wait3A_761 = tpu.memref_slice %arg3[%dma_wait3A_759, %dma_wait3A_760] : memref<1015808x64xf32, #tpu.memory_space<hbm>> -> memref<1015808x64xf32, #tpu.memory_space<hbm>>
    tpu.wait_indirect_dma semaphore(%arg14 : memref<!tpu.dma_semaphore, #tpu.memory_space<semaphore_mem>>) src(%dma_wait3A_761 : memref<1015808x64xf32, #tpu.memory_space<hbm>>) dst(%dma_wait3A_755 : memref<128x64xf32, #tpu.memory_space<vmem>>)
    %dma_wait3A_762 = arith.constant 1 : i32
    %dma_wait3A_763 = arith.constant 3 : i32
    %dma_wait3A_764 = arith.constant 1 : i32
    %dma_wait3A_765 = arith.constant 0 : i32
    %dma_wait3A_766 = arith.constant 0 : i32
    %dma_wait3A_767 = tpu.memref_slice %arg9[%dma_wait3A_764, %dma_wait3A_765, %dma_wait3A_766] : memref<2x128x128xf32, #tpu.memory_space<vmem>> -> memref<1x128x128xf32, #tpu.memory_space<vmem>>
    %dma_wait3A_768 = tpu.memref_squeeze %dma_wait3A_767 : memref<1x128x128xf32, #tpu.memory_space<vmem>> -> memref<128x128xf32, #tpu.memory_space<vmem>>
    %dma_wait3A_769 = arith.constant 0 : i32
    %dma_wait3A_770 = tpu.memref_slice %arg8[%dma_wait3A_762, %dma_wait3A_763, %dma_wait3A_769] : memref<2x4x128xi32, #tpu.memory_space<vmem>> -> memref<1x1x128xi32, #tpu.memory_space<vmem>>
    %dma_wait3A_771 = tpu.memref_squeeze %dma_wait3A_770 : memref<1x1x128xi32, #tpu.memory_space<vmem>> -> memref<128xi32, #tpu.memory_space<vmem>>
    %dma_wait3A_772 = arith.constant 0 : i32
    %dma_wait3A_773 = arith.constant 0 : i32
    %dma_wait3A_774 = tpu.memref_slice %arg4[%dma_wait3A_772, %dma_wait3A_773] : memref<100000x128xf32, #tpu.memory_space<hbm>> -> memref<100000x128xf32, #tpu.memory_space<hbm>>
    tpu.wait_indirect_dma semaphore(%arg14 : memref<!tpu.dma_semaphore, #tpu.memory_space<semaphore_mem>>) src(%dma_wait3A_774 : memref<100000x128xf32, #tpu.memory_space<hbm>>) dst(%dma_wait3A_768 : memref<128x128xf32, #tpu.memory_space<vmem>>)
    %dma_start3A_775 = arith.constant 1 : i32
    %dma_start3A_776 = arith.constant 0 : i32
    %dma_start3A_777 = arith.constant 0 : i32
    %dma_start3A_778 = tpu.memref_slice %arg9[%dma_start3A_775, %dma_start3A_776, %dma_start3A_777] : memref<2x128x128xf32, #tpu.memory_space<vmem>> -> memref<1x128x128xf32, #tpu.memory_space<vmem>>
    %dma_start3A_779 = tpu.memref_squeeze %dma_start3A_778 : memref<1x128x128xf32, #tpu.memory_space<vmem>> -> memref<128x128xf32, #tpu.memory_space<vmem>>
    %dma_start3A_780 = arith.constant 0 : i32
    %dma_start3A_781 = tpu.memref_slice %arg5[%add3A_722, %dma_start3A_780] : memref<16384x128xf32, #tpu.memory_space<hbm>> -> memref<128x128xf32, #tpu.memory_space<hbm>>
    %dma_start3A_782 = arith.constant 0 : i32
    %dma_start3A_783 = tpu.memref_slice %arg5[%add3A_722, %dma_start3A_782] : memref<16384x128xf32, #tpu.memory_space<hbm>> -> memref<128x128xf32, #tpu.memory_space<hbm>>
    %dma_start3A_784 = arith.constant 0 : i32
    %dma_start3A_785 = arith.constant 0 : i32
    %dma_start3A_786 = tpu.memref_slice %arg9[%dma_start3A_775, %dma_start3A_784, %dma_start3A_785] : memref<2x128x128xf32, #tpu.memory_space<vmem>> -> memref<1x128x128xf32, #tpu.memory_space<vmem>>
    %dma_start3A_787 = tpu.memref_squeeze %dma_start3A_786 : memref<1x128x128xf32, #tpu.memory_space<vmem>> -> memref<128x128xf32, #tpu.memory_space<vmem>>
    tpu.enqueue_dma source(%dma_start3A_787 : memref<128x128xf32, #tpu.memory_space<vmem>>) target(%dma_start3A_783 : memref<128x128xf32, #tpu.memory_space<hbm>>) target_semaphore(%arg16 : memref<!tpu.dma_semaphore, #tpu.memory_space<semaphore_mem>>)
    %dma_start3A_788 = arith.constant 1 : i32
    %dma_start3A_789 = arith.constant 0 : i32
    %dma_start3A_790 = arith.constant 0 : i32
    %dma_start3A_791 = tpu.memref_slice %arg10[%dma_start3A_788, %dma_start3A_789, %dma_start3A_790] : memref<2x128x64xf32, #tpu.memory_space<vmem>> -> memref<1x128x64xf32, #tpu.memory_space<vmem>>
    %dma_start3A_792 = tpu.memref_squeeze %dma_start3A_791 : memref<1x128x64xf32, #tpu.memory_space<vmem>> -> memref<128x64xf32, #tpu.memory_space<vmem>>
    %dma_start3A_793 = arith.constant 0 : i32
    %dma_start3A_794 = tpu.memref_slice %arg6[%add3A_722, %dma_start3A_793] : memref<16384x128xf32, #tpu.memory_space<hbm>> -> memref<128x64xf32, #tpu.memory_space<hbm>>
    %dma_start3A_795 = arith.constant 0 : i32
    %dma_start3A_796 = tpu.memref_slice %arg6[%add3A_722, %dma_start3A_795] : memref<16384x128xf32, #tpu.memory_space<hbm>> -> memref<128x64xf32, #tpu.memory_space<hbm>>
    %dma_start3A_797 = arith.constant 0 : i32
    %dma_start3A_798 = arith.constant 0 : i32
    %dma_start3A_799 = tpu.memref_slice %arg10[%dma_start3A_788, %dma_start3A_797, %dma_start3A_798] : memref<2x128x64xf32, #tpu.memory_space<vmem>> -> memref<1x128x64xf32, #tpu.memory_space<vmem>>
    %dma_start3A_800 = tpu.memref_squeeze %dma_start3A_799 : memref<1x128x64xf32, #tpu.memory_space<vmem>> -> memref<128x64xf32, #tpu.memory_space<vmem>>
    tpu.enqueue_dma source(%dma_start3A_800 : memref<128x64xf32, #tpu.memory_space<vmem>>) target(%dma_start3A_796 : memref<128x64xf32, #tpu.memory_space<hbm>>) target_semaphore(%arg16 : memref<!tpu.dma_semaphore, #tpu.memory_space<semaphore_mem>>)
    %dma_start3A_801 = arith.constant 1 : i32
    %dma_start3A_802 = arith.constant 0 : i32
    %dma_start3A_803 = arith.constant 0 : i32
    %dma_start3A_804 = tpu.memref_slice %arg11[%dma_start3A_801, %dma_start3A_802, %dma_start3A_803] : memref<2x128x64xf32, #tpu.memory_space<vmem>> -> memref<1x128x64xf32, #tpu.memory_space<vmem>>
    %dma_start3A_805 = tpu.memref_squeeze %dma_start3A_804 : memref<1x128x64xf32, #tpu.memory_space<vmem>> -> memref<128x64xf32, #tpu.memory_space<vmem>>
    %dma_start3A_806 = arith.constant 64 : i32
    %dma_start3A_807 = tpu.memref_slice %arg6[%add3A_722, %dma_start3A_806] : memref<16384x128xf32, #tpu.memory_space<hbm>> -> memref<128x64xf32, #tpu.memory_space<hbm>>
    %dma_start3A_808 = arith.constant 64 : i32
    %dma_start3A_809 = tpu.memref_slice %arg6[%add3A_722, %dma_start3A_808] : memref<16384x128xf32, #tpu.memory_space<hbm>> -> memref<128x64xf32, #tpu.memory_space<hbm>>
    %dma_start3A_810 = arith.constant 0 : i32
    %dma_start3A_811 = arith.constant 0 : i32
    %dma_start3A_812 = tpu.memref_slice %arg11[%dma_start3A_801, %dma_start3A_810, %dma_start3A_811] : memref<2x128x64xf32, #tpu.memory_space<vmem>> -> memref<1x128x64xf32, #tpu.memory_space<vmem>>
    %dma_start3A_813 = tpu.memref_squeeze %dma_start3A_812 : memref<1x128x64xf32, #tpu.memory_space<vmem>> -> memref<128x64xf32, #tpu.memory_space<vmem>>
    tpu.enqueue_dma source(%dma_start3A_813 : memref<128x64xf32, #tpu.memory_space<vmem>>) target(%dma_start3A_809 : memref<128x64xf32, #tpu.memory_space<hbm>>) target_semaphore(%arg16 : memref<!tpu.dma_semaphore, #tpu.memory_space<semaphore_mem>>)
    %dma_start3A_814 = arith.constant 1 : i32
    %dma_start3A_815 = arith.constant 0 : i32
    %dma_start3A_816 = arith.constant 0 : i32
    %dma_start3A_817 = tpu.memref_slice %arg10[%dma_start3A_814, %dma_start3A_815, %dma_start3A_816] : memref<2x128x64xf32, #tpu.memory_space<vmem>> -> memref<1x128x64xf32, #tpu.memory_space<vmem>>
    %dma_start3A_818 = tpu.memref_squeeze %dma_start3A_817 : memref<1x128x64xf32, #tpu.memory_space<vmem>> -> memref<128x64xf32, #tpu.memory_space<vmem>>
    %dma_start3A_819 = arith.constant 0 : i32
    %dma_start3A_820 = tpu.memref_slice %arg7[%add3A_722, %dma_start3A_819] : memref<16384x128xf32, #tpu.memory_space<hbm>> -> memref<128x64xf32, #tpu.memory_space<hbm>>
    %dma_start3A_821 = arith.constant 0 : i32
    %dma_start3A_822 = tpu.memref_slice %arg7[%add3A_722, %dma_start3A_821] : memref<16384x128xf32, #tpu.memory_space<hbm>> -> memref<128x64xf32, #tpu.memory_space<hbm>>
    %dma_start3A_823 = arith.constant 0 : i32
    %dma_start3A_824 = arith.constant 0 : i32
    %dma_start3A_825 = tpu.memref_slice %arg10[%dma_start3A_814, %dma_start3A_823, %dma_start3A_824] : memref<2x128x64xf32, #tpu.memory_space<vmem>> -> memref<1x128x64xf32, #tpu.memory_space<vmem>>
    %dma_start3A_826 = tpu.memref_squeeze %dma_start3A_825 : memref<1x128x64xf32, #tpu.memory_space<vmem>> -> memref<128x64xf32, #tpu.memory_space<vmem>>
    tpu.enqueue_dma source(%dma_start3A_826 : memref<128x64xf32, #tpu.memory_space<vmem>>) target(%dma_start3A_822 : memref<128x64xf32, #tpu.memory_space<hbm>>) target_semaphore(%arg16 : memref<!tpu.dma_semaphore, #tpu.memory_space<semaphore_mem>>)
    %dma_start3A_827 = arith.constant 1 : i32
    %dma_start3A_828 = arith.constant 0 : i32
    %dma_start3A_829 = arith.constant 0 : i32
    %dma_start3A_830 = tpu.memref_slice %arg12[%dma_start3A_827, %dma_start3A_828, %dma_start3A_829] : memref<2x128x64xf32, #tpu.memory_space<vmem>> -> memref<1x128x64xf32, #tpu.memory_space<vmem>>
    %dma_start3A_831 = tpu.memref_squeeze %dma_start3A_830 : memref<1x128x64xf32, #tpu.memory_space<vmem>> -> memref<128x64xf32, #tpu.memory_space<vmem>>
    %dma_start3A_832 = arith.constant 64 : i32
    %dma_start3A_833 = tpu.memref_slice %arg7[%add3A_722, %dma_start3A_832] : memref<16384x128xf32, #tpu.memory_space<hbm>> -> memref<128x64xf32, #tpu.memory_space<hbm>>
    %dma_start3A_834 = arith.constant 64 : i32
    %dma_start3A_835 = tpu.memref_slice %arg7[%add3A_722, %dma_start3A_834] : memref<16384x128xf32, #tpu.memory_space<hbm>> -> memref<128x64xf32, #tpu.memory_space<hbm>>
    %dma_start3A_836 = arith.constant 0 : i32
    %dma_start3A_837 = arith.constant 0 : i32
    %dma_start3A_838 = tpu.memref_slice %arg12[%dma_start3A_827, %dma_start3A_836, %dma_start3A_837] : memref<2x128x64xf32, #tpu.memory_space<vmem>> -> memref<1x128x64xf32, #tpu.memory_space<vmem>>
    %dma_start3A_839 = tpu.memref_squeeze %dma_start3A_838 : memref<1x128x64xf32, #tpu.memory_space<vmem>> -> memref<128x64xf32, #tpu.memory_space<vmem>>
    tpu.enqueue_dma source(%dma_start3A_839 : memref<128x64xf32, #tpu.memory_space<vmem>>) target(%dma_start3A_835 : memref<128x64xf32, #tpu.memory_space<hbm>>) target_semaphore(%arg16 : memref<!tpu.dma_semaphore, #tpu.memory_space<semaphore_mem>>)
    %dma_wait3A_840 = arith.constant 0 : i32
    %dma_wait3A_841 = arith.constant 0 : i32
    %dma_wait3A_842 = arith.constant 0 : i32
    %dma_wait3A_843 = tpu.memref_slice %arg9[%dma_wait3A_840, %dma_wait3A_841, %dma_wait3A_842] : memref<2x128x128xf32, #tpu.memory_space<vmem>> -> memref<1x128x128xf32, #tpu.memory_space<vmem>>
    %dma_wait3A_844 = tpu.memref_squeeze %dma_wait3A_843 : memref<1x128x128xf32, #tpu.memory_space<vmem>> -> memref<128x128xf32, #tpu.memory_space<vmem>>
    %dma_wait3A_845 = arith.constant 0 : i32
    %dma_wait3A_846 = tpu.memref_slice %arg5[%add3A_601, %dma_wait3A_845] : memref<16384x128xf32, #tpu.memory_space<hbm>> -> memref<128x128xf32, #tpu.memory_space<hbm>>
    %dma_wait3A_847 = arith.constant 0 : i32
    %dma_wait3A_848 = tpu.memref_slice %arg5[%add3A_601, %dma_wait3A_847] : memref<16384x128xf32, #tpu.memory_space<hbm>> -> memref<128x128xf32, #tpu.memory_space<hbm>>
    %dma_wait3A_849 = arith.constant 0 : i32
    %dma_wait3A_850 = arith.constant 0 : i32
    %dma_wait3A_851 = tpu.memref_slice %arg9[%dma_wait3A_840, %dma_wait3A_849, %dma_wait3A_850] : memref<2x128x128xf32, #tpu.memory_space<vmem>> -> memref<1x128x128xf32, #tpu.memory_space<vmem>>
    %dma_wait3A_852 = tpu.memref_squeeze %dma_wait3A_851 : memref<1x128x128xf32, #tpu.memory_space<vmem>> -> memref<128x128xf32, #tpu.memory_space<vmem>>
    tpu.wait_dma2 semaphore(%arg15 : memref<!tpu.dma_semaphore, #tpu.memory_space<semaphore_mem>>) src(%dma_wait3A_852 : memref<128x128xf32, #tpu.memory_space<vmem>>) dst(%dma_wait3A_848 : memref<128x128xf32, #tpu.memory_space<hbm>>)
    %dma_wait3A_853 = arith.constant 0 : i32
    %dma_wait3A_854 = arith.constant 0 : i32
    %dma_wait3A_855 = arith.constant 0 : i32
    %dma_wait3A_856 = tpu.memref_slice %arg10[%dma_wait3A_853, %dma_wait3A_854, %dma_wait3A_855] : memref<2x128x64xf32, #tpu.memory_space<vmem>> -> memref<1x128x64xf32, #tpu.memory_space<vmem>>
    %dma_wait3A_857 = tpu.memref_squeeze %dma_wait3A_856 : memref<1x128x64xf32, #tpu.memory_space<vmem>> -> memref<128x64xf32, #tpu.memory_space<vmem>>
    %dma_wait3A_858 = arith.constant 0 : i32
    %dma_wait3A_859 = tpu.memref_slice %arg6[%add3A_601, %dma_wait3A_858] : memref<16384x128xf32, #tpu.memory_space<hbm>> -> memref<128x64xf32, #tpu.memory_space<hbm>>
    %dma_wait3A_860 = arith.constant 0 : i32
    %dma_wait3A_861 = tpu.memref_slice %arg6[%add3A_601, %dma_wait3A_860] : memref<16384x128xf32, #tpu.memory_space<hbm>> -> memref<128x64xf32, #tpu.memory_space<hbm>>
    %dma_wait3A_862 = arith.constant 0 : i32
    %dma_wait3A_863 = arith.constant 0 : i32
    %dma_wait3A_864 = tpu.memref_slice %arg10[%dma_wait3A_853, %dma_wait3A_862, %dma_wait3A_863] : memref<2x128x64xf32, #tpu.memory_space<vmem>> -> memref<1x128x64xf32, #tpu.memory_space<vmem>>
    %dma_wait3A_865 = tpu.memref_squeeze %dma_wait3A_864 : memref<1x128x64xf32, #tpu.memory_space<vmem>> -> memref<128x64xf32, #tpu.memory_space<vmem>>
    tpu.wait_dma2 semaphore(%arg15 : memref<!tpu.dma_semaphore, #tpu.memory_space<semaphore_mem>>) src(%dma_wait3A_865 : memref<128x64xf32, #tpu.memory_space<vmem>>) dst(%dma_wait3A_861 : memref<128x64xf32, #tpu.memory_space<hbm>>)
    %dma_wait3A_866 = arith.constant 0 : i32
    %dma_wait3A_867 = arith.constant 0 : i32
    %dma_wait3A_868 = arith.constant 0 : i32
    %dma_wait3A_869 = tpu.memref_slice %arg11[%dma_wait3A_866, %dma_wait3A_867, %dma_wait3A_868] : memref<2x128x64xf32, #tpu.memory_space<vmem>> -> memref<1x128x64xf32, #tpu.memory_space<vmem>>
    %dma_wait3A_870 = tpu.memref_squeeze %dma_wait3A_869 : memref<1x128x64xf32, #tpu.memory_space<vmem>> -> memref<128x64xf32, #tpu.memory_space<vmem>>
    %dma_wait3A_871 = arith.constant 64 : i32
    %dma_wait3A_872 = tpu.memref_slice %arg6[%add3A_601, %dma_wait3A_871] : memref<16384x128xf32, #tpu.memory_space<hbm>> -> memref<128x64xf32, #tpu.memory_space<hbm>>
    %dma_wait3A_873 = arith.constant 64 : i32
    %dma_wait3A_874 = tpu.memref_slice %arg6[%add3A_601, %dma_wait3A_873] : memref<16384x128xf32, #tpu.memory_space<hbm>> -> memref<128x64xf32, #tpu.memory_space<hbm>>
    %dma_wait3A_875 = arith.constant 0 : i32
    %dma_wait3A_876 = arith.constant 0 : i32
    %dma_wait3A_877 = tpu.memref_slice %arg11[%dma_wait3A_866, %dma_wait3A_875, %dma_wait3A_876] : memref<2x128x64xf32, #tpu.memory_space<vmem>> -> memref<1x128x64xf32, #tpu.memory_space<vmem>>
    %dma_wait3A_878 = tpu.memref_squeeze %dma_wait3A_877 : memref<1x128x64xf32, #tpu.memory_space<vmem>> -> memref<128x64xf32, #tpu.memory_space<vmem>>
    tpu.wait_dma2 semaphore(%arg15 : memref<!tpu.dma_semaphore, #tpu.memory_space<semaphore_mem>>) src(%dma_wait3A_878 : memref<128x64xf32, #tpu.memory_space<vmem>>) dst(%dma_wait3A_874 : memref<128x64xf32, #tpu.memory_space<hbm>>)
    %dma_wait3A_879 = arith.constant 0 : i32
    %dma_wait3A_880 = arith.constant 0 : i32
    %dma_wait3A_881 = arith.constant 0 : i32
    %dma_wait3A_882 = tpu.memref_slice %arg10[%dma_wait3A_879, %dma_wait3A_880, %dma_wait3A_881] : memref<2x128x64xf32, #tpu.memory_space<vmem>> -> memref<1x128x64xf32, #tpu.memory_space<vmem>>
    %dma_wait3A_883 = tpu.memref_squeeze %dma_wait3A_882 : memref<1x128x64xf32, #tpu.memory_space<vmem>> -> memref<128x64xf32, #tpu.memory_space<vmem>>
    %dma_wait3A_884 = arith.constant 0 : i32
    %dma_wait3A_885 = tpu.memref_slice %arg7[%add3A_601, %dma_wait3A_884] : memref<16384x128xf32, #tpu.memory_space<hbm>> -> memref<128x64xf32, #tpu.memory_space<hbm>>
    %dma_wait3A_886 = arith.constant 0 : i32
    %dma_wait3A_887 = tpu.memref_slice %arg7[%add3A_601, %dma_wait3A_886] : memref<16384x128xf32, #tpu.memory_space<hbm>> -> memref<128x64xf32, #tpu.memory_space<hbm>>
    %dma_wait3A_888 = arith.constant 0 : i32
    %dma_wait3A_889 = arith.constant 0 : i32
    %dma_wait3A_890 = tpu.memref_slice %arg10[%dma_wait3A_879, %dma_wait3A_888, %dma_wait3A_889] : memref<2x128x64xf32, #tpu.memory_space<vmem>> -> memref<1x128x64xf32, #tpu.memory_space<vmem>>
    %dma_wait3A_891 = tpu.memref_squeeze %dma_wait3A_890 : memref<1x128x64xf32, #tpu.memory_space<vmem>> -> memref<128x64xf32, #tpu.memory_space<vmem>>
    tpu.wait_dma2 semaphore(%arg15 : memref<!tpu.dma_semaphore, #tpu.memory_space<semaphore_mem>>) src(%dma_wait3A_891 : memref<128x64xf32, #tpu.memory_space<vmem>>) dst(%dma_wait3A_887 : memref<128x64xf32, #tpu.memory_space<hbm>>)
    %dma_wait3A_892 = arith.constant 0 : i32
    %dma_wait3A_893 = arith.constant 0 : i32
    %dma_wait3A_894 = arith.constant 0 : i32
    %dma_wait3A_895 = tpu.memref_slice %arg12[%dma_wait3A_892, %dma_wait3A_893, %dma_wait3A_894] : memref<2x128x64xf32, #tpu.memory_space<vmem>> -> memref<1x128x64xf32, #tpu.memory_space<vmem>>
    %dma_wait3A_896 = tpu.memref_squeeze %dma_wait3A_895 : memref<1x128x64xf32, #tpu.memory_space<vmem>> -> memref<128x64xf32, #tpu.memory_space<vmem>>
    %dma_wait3A_897 = arith.constant 64 : i32
    %dma_wait3A_898 = tpu.memref_slice %arg7[%add3A_601, %dma_wait3A_897] : memref<16384x128xf32, #tpu.memory_space<hbm>> -> memref<128x64xf32, #tpu.memory_space<hbm>>
    %dma_wait3A_899 = arith.constant 64 : i32
    %dma_wait3A_900 = tpu.memref_slice %arg7[%add3A_601, %dma_wait3A_899] : memref<16384x128xf32, #tpu.memory_space<hbm>> -> memref<128x64xf32, #tpu.memory_space<hbm>>
    %dma_wait3A_901 = arith.constant 0 : i32
    %dma_wait3A_902 = arith.constant 0 : i32
    %dma_wait3A_903 = tpu.memref_slice %arg12[%dma_wait3A_892, %dma_wait3A_901, %dma_wait3A_902] : memref<2x128x64xf32, #tpu.memory_space<vmem>> -> memref<1x128x64xf32, #tpu.memory_space<vmem>>
    %dma_wait3A_904 = tpu.memref_squeeze %dma_wait3A_903 : memref<1x128x64xf32, #tpu.memory_space<vmem>> -> memref<128x64xf32, #tpu.memory_space<vmem>>
    tpu.wait_dma2 semaphore(%arg15 : memref<!tpu.dma_semaphore, #tpu.memory_space<semaphore_mem>>) src(%dma_wait3A_904 : memref<128x64xf32, #tpu.memory_space<vmem>>) dst(%dma_wait3A_900 : memref<128x64xf32, #tpu.memory_space<hbm>>)
    %dma_wait3A_905 = arith.constant 1 : i32
    %dma_wait3A_906 = arith.constant 0 : i32
    %dma_wait3A_907 = arith.constant 0 : i32
    %dma_wait3A_908 = tpu.memref_slice %arg9[%dma_wait3A_905, %dma_wait3A_906, %dma_wait3A_907] : memref<2x128x128xf32, #tpu.memory_space<vmem>> -> memref<1x128x128xf32, #tpu.memory_space<vmem>>
    %dma_wait3A_909 = tpu.memref_squeeze %dma_wait3A_908 : memref<1x128x128xf32, #tpu.memory_space<vmem>> -> memref<128x128xf32, #tpu.memory_space<vmem>>
    %dma_wait3A_910 = arith.constant 0 : i32
    %dma_wait3A_911 = tpu.memref_slice %arg5[%add3A_722, %dma_wait3A_910] : memref<16384x128xf32, #tpu.memory_space<hbm>> -> memref<128x128xf32, #tpu.memory_space<hbm>>
    %dma_wait3A_912 = arith.constant 0 : i32
    %dma_wait3A_913 = tpu.memref_slice %arg5[%add3A_722, %dma_wait3A_912] : memref<16384x128xf32, #tpu.memory_space<hbm>> -> memref<128x128xf32, #tpu.memory_space<hbm>>
    %dma_wait3A_914 = arith.constant 0 : i32
    %dma_wait3A_915 = arith.constant 0 : i32
    %dma_wait3A_916 = tpu.memref_slice %arg9[%dma_wait3A_905, %dma_wait3A_914, %dma_wait3A_915] : memref<2x128x128xf32, #tpu.memory_space<vmem>> -> memref<1x128x128xf32, #tpu.memory_space<vmem>>
    %dma_wait3A_917 = tpu.memref_squeeze %dma_wait3A_916 : memref<1x128x128xf32, #tpu.memory_space<vmem>> -> memref<128x128xf32, #tpu.memory_space<vmem>>
    tpu.wait_dma2 semaphore(%arg16 : memref<!tpu.dma_semaphore, #tpu.memory_space<semaphore_mem>>) src(%dma_wait3A_917 : memref<128x128xf32, #tpu.memory_space<vmem>>) dst(%dma_wait3A_913 : memref<128x128xf32, #tpu.memory_space<hbm>>)
    %dma_wait3A_918 = arith.constant 1 : i32
    %dma_wait3A_919 = arith.constant 0 : i32
    %dma_wait3A_920 = arith.constant 0 : i32
    %dma_wait3A_921 = tpu.memref_slice %arg10[%dma_wait3A_918, %dma_wait3A_919, %dma_wait3A_920] : memref<2x128x64xf32, #tpu.memory_space<vmem>> -> memref<1x128x64xf32, #tpu.memory_space<vmem>>
    %dma_wait3A_922 = tpu.memref_squeeze %dma_wait3A_921 : memref<1x128x64xf32, #tpu.memory_space<vmem>> -> memref<128x64xf32, #tpu.memory_space<vmem>>
    %dma_wait3A_923 = arith.constant 0 : i32
    %dma_wait3A_924 = tpu.memref_slice %arg6[%add3A_722, %dma_wait3A_923] : memref<16384x128xf32, #tpu.memory_space<hbm>> -> memref<128x64xf32, #tpu.memory_space<hbm>>
    %dma_wait3A_925 = arith.constant 0 : i32
    %dma_wait3A_926 = tpu.memref_slice %arg6[%add3A_722, %dma_wait3A_925] : memref<16384x128xf32, #tpu.memory_space<hbm>> -> memref<128x64xf32, #tpu.memory_space<hbm>>
    %dma_wait3A_927 = arith.constant 0 : i32
    %dma_wait3A_928 = arith.constant 0 : i32
    %dma_wait3A_929 = tpu.memref_slice %arg10[%dma_wait3A_918, %dma_wait3A_927, %dma_wait3A_928] : memref<2x128x64xf32, #tpu.memory_space<vmem>> -> memref<1x128x64xf32, #tpu.memory_space<vmem>>
    %dma_wait3A_930 = tpu.memref_squeeze %dma_wait3A_929 : memref<1x128x64xf32, #tpu.memory_space<vmem>> -> memref<128x64xf32, #tpu.memory_space<vmem>>
    tpu.wait_dma2 semaphore(%arg16 : memref<!tpu.dma_semaphore, #tpu.memory_space<semaphore_mem>>) src(%dma_wait3A_930 : memref<128x64xf32, #tpu.memory_space<vmem>>) dst(%dma_wait3A_926 : memref<128x64xf32, #tpu.memory_space<hbm>>)
    %dma_wait3A_931 = arith.constant 1 : i32
    %dma_wait3A_932 = arith.constant 0 : i32
    %dma_wait3A_933 = arith.constant 0 : i32
    %dma_wait3A_934 = tpu.memref_slice %arg11[%dma_wait3A_931, %dma_wait3A_932, %dma_wait3A_933] : memref<2x128x64xf32, #tpu.memory_space<vmem>> -> memref<1x128x64xf32, #tpu.memory_space<vmem>>
    %dma_wait3A_935 = tpu.memref_squeeze %dma_wait3A_934 : memref<1x128x64xf32, #tpu.memory_space<vmem>> -> memref<128x64xf32, #tpu.memory_space<vmem>>
    %dma_wait3A_936 = arith.constant 64 : i32
    %dma_wait3A_937 = tpu.memref_slice %arg6[%add3A_722, %dma_wait3A_936] : memref<16384x128xf32, #tpu.memory_space<hbm>> -> memref<128x64xf32, #tpu.memory_space<hbm>>
    %dma_wait3A_938 = arith.constant 64 : i32
    %dma_wait3A_939 = tpu.memref_slice %arg6[%add3A_722, %dma_wait3A_938] : memref<16384x128xf32, #tpu.memory_space<hbm>> -> memref<128x64xf32, #tpu.memory_space<hbm>>
    %dma_wait3A_940 = arith.constant 0 : i32
    %dma_wait3A_941 = arith.constant 0 : i32
    %dma_wait3A_942 = tpu.memref_slice %arg11[%dma_wait3A_931, %dma_wait3A_940, %dma_wait3A_941] : memref<2x128x64xf32, #tpu.memory_space<vmem>> -> memref<1x128x64xf32, #tpu.memory_space<vmem>>
    %dma_wait3A_943 = tpu.memref_squeeze %dma_wait3A_942 : memref<1x128x64xf32, #tpu.memory_space<vmem>> -> memref<128x64xf32, #tpu.memory_space<vmem>>
    tpu.wait_dma2 semaphore(%arg16 : memref<!tpu.dma_semaphore, #tpu.memory_space<semaphore_mem>>) src(%dma_wait3A_943 : memref<128x64xf32, #tpu.memory_space<vmem>>) dst(%dma_wait3A_939 : memref<128x64xf32, #tpu.memory_space<hbm>>)
    %dma_wait3A_944 = arith.constant 1 : i32
    %dma_wait3A_945 = arith.constant 0 : i32
    %dma_wait3A_946 = arith.constant 0 : i32
    %dma_wait3A_947 = tpu.memref_slice %arg10[%dma_wait3A_944, %dma_wait3A_945, %dma_wait3A_946] : memref<2x128x64xf32, #tpu.memory_space<vmem>> -> memref<1x128x64xf32, #tpu.memory_space<vmem>>
    %dma_wait3A_948 = tpu.memref_squeeze %dma_wait3A_947 : memref<1x128x64xf32, #tpu.memory_space<vmem>> -> memref<128x64xf32, #tpu.memory_space<vmem>>
    %dma_wait3A_949 = arith.constant 0 : i32
    %dma_wait3A_950 = tpu.memref_slice %arg7[%add3A_722, %dma_wait3A_949] : memref<16384x128xf32, #tpu.memory_space<hbm>> -> memref<128x64xf32, #tpu.memory_space<hbm>>
    %dma_wait3A_951 = arith.constant 0 : i32
    %dma_wait3A_952 = tpu.memref_slice %arg7[%add3A_722, %dma_wait3A_951] : memref<16384x128xf32, #tpu.memory_space<hbm>> -> memref<128x64xf32, #tpu.memory_space<hbm>>
    %dma_wait3A_953 = arith.constant 0 : i32
    %dma_wait3A_954 = arith.constant 0 : i32
    %dma_wait3A_955 = tpu.memref_slice %arg10[%dma_wait3A_944, %dma_wait3A_953, %dma_wait3A_954] : memref<2x128x64xf32, #tpu.memory_space<vmem>> -> memref<1x128x64xf32, #tpu.memory_space<vmem>>
    %dma_wait3A_956 = tpu.memref_squeeze %dma_wait3A_955 : memref<1x128x64xf32, #tpu.memory_space<vmem>> -> memref<128x64xf32, #tpu.memory_space<vmem>>
    tpu.wait_dma2 semaphore(%arg16 : memref<!tpu.dma_semaphore, #tpu.memory_space<semaphore_mem>>) src(%dma_wait3A_956 : memref<128x64xf32, #tpu.memory_space<vmem>>) dst(%dma_wait3A_952 : memref<128x64xf32, #tpu.memory_space<hbm>>)
    %dma_wait3A_957 = arith.constant 1 : i32
    %dma_wait3A_958 = arith.constant 0 : i32
    %dma_wait3A_959 = arith.constant 0 : i32
    %dma_wait3A_960 = tpu.memref_slice %arg12[%dma_wait3A_957, %dma_wait3A_958, %dma_wait3A_959] : memref<2x128x64xf32, #tpu.memory_space<vmem>> -> memref<1x128x64xf32, #tpu.memory_space<vmem>>
    %dma_wait3A_961 = tpu.memref_squeeze %dma_wait3A_960 : memref<1x128x64xf32, #tpu.memory_space<vmem>> -> memref<128x64xf32, #tpu.memory_space<vmem>>
    %dma_wait3A_962 = arith.constant 64 : i32
    %dma_wait3A_963 = tpu.memref_slice %arg7[%add3A_722, %dma_wait3A_962] : memref<16384x128xf32, #tpu.memory_space<hbm>> -> memref<128x64xf32, #tpu.memory_space<hbm>>
    %dma_wait3A_964 = arith.constant 64 : i32
    %dma_wait3A_965 = tpu.memref_slice %arg7[%add3A_722, %dma_wait3A_964] : memref<16384x128xf32, #tpu.memory_space<hbm>> -> memref<128x64xf32, #tpu.memory_space<hbm>>
    %dma_wait3A_966 = arith.constant 0 : i32
    %dma_wait3A_967 = arith.constant 0 : i32
    %dma_wait3A_968 = tpu.memref_slice %arg12[%dma_wait3A_957, %dma_wait3A_966, %dma_wait3A_967] : memref<2x128x64xf32, #tpu.memory_space<vmem>> -> memref<1x128x64xf32, #tpu.memory_space<vmem>>
    %dma_wait3A_969 = tpu.memref_squeeze %dma_wait3A_968 : memref<1x128x64xf32, #tpu.memory_space<vmem>> -> memref<128x64xf32, #tpu.memory_space<vmem>>
    tpu.wait_dma2 semaphore(%arg16 : memref<!tpu.dma_semaphore, #tpu.memory_space<semaphore_mem>>) src(%dma_wait3A_969 : memref<128x64xf32, #tpu.memory_space<vmem>>) dst(%dma_wait3A_965 : memref<128x64xf32, #tpu.memory_space<hbm>>)
    return
  }
}

module attributes {stable_mosaic.version = 14 : i64} {
  func.func @_tr_body(%arg0: i32, %arg1: memref<64x16384xf32, #tpu.memory_space<vmem>>, %arg2: memref<8192x128xf32, #tpu.memory_space<vmem>>) attributes {dimension_semantics = [#tpu.dimension_semantics<arbitrary>], iteration_bounds = array<i64: 62>, scalar_prefetch = 0 : i64, scratch_operands = 0 : i64, tpu.core_type = #tpu.core_type<tc>, window_params = [{transform_indices = @transform_0, window_bounds = array<i64: 64, 16384>}, {transform_indices = @transform_1, window_bounds = array<i64: 8192, 128>}]} {
    %get3A = arith.constant 0 : index
    %get3A_0 = arith.constant 0 : index
    %get3A_1 = vector.load %arg1[%get3A, %get3A_0] : memref<64x16384xf32, #tpu.memory_space<vmem>>, vector<64x16384xf32>
    %transpose3A = tpu.transpose %get3A_1, [1, 0] : vector<64x16384xf32> -> vector<16384x64xf32>
    %slice3A = vector.extract_strided_slice %transpose3A {offsets = [0, 0], sizes = [8192, 64], strides = [1, 1]} : vector<16384x64xf32> to vector<8192x64xf32>
    %swap3A = arith.constant 0 : index
    %swap3A_2 = arith.constant 0 : index
    %swap3A_3 = vector.load %arg2[%swap3A, %swap3A_2] : memref<8192x128xf32, #tpu.memory_space<vmem>>, vector<8192x64xf32>
    tpu.vector_store %arg2[%swap3A, %swap3A_2], %slice3A {strides = array<i32>} : memref<8192x128xf32, #tpu.memory_space<vmem>>, vector<8192x64xf32>,
    %slice3A_4 = vector.extract_strided_slice %transpose3A {offsets = [8192, 0], sizes = [8192, 64], strides = [1, 1]} : vector<16384x64xf32> to vector<8192x64xf32>
    %swap3A_5 = arith.constant 0 : index
    %swap3A_6 = arith.constant 64 : index
    %swap3A_7 = vector.load %arg2[%swap3A_5, %swap3A_6] : memref<8192x128xf32, #tpu.memory_space<vmem>>, vector<8192x64xf32>
    tpu.vector_store %arg2[%swap3A_5, %swap3A_6], %slice3A_4 {strides = array<i32>} : memref<8192x128xf32, #tpu.memory_space<vmem>>, vector<8192x64xf32>,
    return
  }
  func.func @transform_0(%arg0: i32) -> (i32, i32) {
    %c0_i32 = arith.constant 0 : i32
    %c0_i32_0 = arith.constant 0 : i32
    return %c0_i32, %arg0 : i32, i32
  }
  func.func @transform_1(%arg0: i32) -> (i32, i32) {
    %c0_i32 = arith.constant 0 : i32
    %c0_i32_0 = arith.constant 0 : i32
    return %arg0, %c0_i32 : i32, i32
  }
}

</mosaic_0001>

<sc_bundles>
// kernel: kernel.4.cloned.1.call-start
scs
__scs_entry_jumppad:
0x0: {  	(pc) =	sbr.rel $0x88, $3  }
0x1: {  	(tag) =	ssettag $0x0;
	lr =	simm.s32 $0x1  }
0x2: {  	[smem:$0x3F9E] =	sst lr;
	_ =	strace $0xD0000000  }
0x3: {  	_ = 	snop  }
0x4: {  	_ = 	snop  }
0x5: {  	_ = 	snop  }
0x6: {  	_ = 	snop  }
0x7: {  	_ = 	snop  }
__scs_overlays_trampoline_lowered:
0x8: {  	[smem:$0x3FAD] =	sst s0  }
0x9: {  	[smem:$0x3FAE] =	sst s1  }
0xa: {  	[smem:$0x3FAF] =	sst s2  }
0xb: {  	[smem:$0x3FB0] =	sst s3  }
0xc: {  	[smem:$0x3FB1] =	sst s4  }
0xd: {  	[smem:$0x3FB2] =	sst s5  }
0xe: {  	[smem:$0x3FB3] =	sst s6  }
0xf: {  	[smem:$0x3FB4] =	sst s7  }
0x10: {  	[smem:$0x3FB5] =	sst s8  }
0x11: {  	[smem:$0x3FB6] =	sst s9;
	s0 =	simm.s32 @!p0 $0x0  }
0x12: {  	s1 =	sld [smem:$0x3F9C];
	s0 =	simm.s32 @p0 $0x1  }
0x13: {  	[smem:$0x3FB7] =	sst s0;
	s0 =	simm.s32 @!p1 $0x0  }
0x14: {  	s2 =	sld [smem:$0x3F9B];
	s0 =	simm.s32 @p1 $0x1  }
0x15: {  	[smem:$0x3FB8] =	sst s0;
	s0 =	simm.s32 @!p2 $0x0  }
0x16: {  	s3 =	sld [smem:$0x3FDB];
	s0 =	simm.s32 @p2 $0x1  }
0x17: {  	s4 =	simm.s32 $0x1BF5;
	[smem:$0x3FBA] =	sst s0  }
0x18: {  	s0 =	sld [smem:$0x3F9D];
	_ =	swait.ge [sflag:s4], $0x0  }
0x19: {  	s7 =	sld [smem:$0x3F9E]  }
0x1a: {  	s8 =	sadd.s32 $0xFFFFE003, lr  }
0x1b: {  	s9 =	sadd.s32 $0xFFFFFEF7, lr;
	s5 =	simm.s32 $0xFFFFFFFF;
	p2 =	slt.u32 s8, $0xFFFFF086  }
0x1c: {  	p1 =	slt.u32 s9, $0xF7A;
	s5 =	simm.s32 @!p2 $0x0  }
0x1d: {  	s5 =	simm.s32 @p1 $0x1;
	p0 =	seq.s32 s7, s2  }
0x1e: {  	s7 =	smul.u32 @!p0 $0xF7A, s2;
	p2 =	seq.s32 @!p0 s5, $0x0  }
0x1f: {  	s9 =	smul.u32 $0xF7A, s1;
	s8 =	simm.s32 @!p0 $0x1BF5;
	p2 =	por !p2, p0  }
0x20: {  	[sflag:s8] =	ssyncset.s32 @!p0 $0xFFFFF086;
	s6 =	sadd.s32 @!p0 s3, s7;
	s7 =	simm.s32 @!p0 $0x108  }
0x21: {  	s3 =	sadd.s32 s3, s9;
	s6 =	sadd.s32 @!p0 $0x88, s6;
	s7 =	simm.s32 @p2 $0x1082  }
0x22: {  	[simem:s7], [sflag:s8] =	dma.local @!p0 [hbm:s6], $0xF7A  }
0x23: {  	s9 =	sor.u32 $0xD0000000, s2;
	s6 =	simm.s32 $0x108;
	_ =	swait.ge @!p0 [sflag:s8], $0x0  }
0x24: {  	s3 =	sadd.s32 $0x88, s3;
	s6 =	simm.s32 @!p1 $0x1082;
	[sflag:s4] =	ssyncset.s32 $0xFFFFF086  }
0x25: {  	[simem:s6], [sflag:s4] =	dma.local [hbm:s3], $0xF7A  }
0x26: {  	[smem:$0x3F9E] =	sst s1;
	(tag) =	ssettag s2;
	_ =	strace s9  }
0x27: {  	s1 =	sld [smem:$0x3FAE]  }
0x28: {  	s2 =	sld [smem:$0x3FAF]  }
0x29: {  	s4 =	sld [smem:$0x3FB1]  }
0x2a: {  	p0 =	seq.s32 s5, $0x0;
	s5 =	sld [smem:$0x3FB2]  }
0x2b: {  	s6 =	sld [smem:$0x3FB3]  }
0x2c: {  	s7 =	sld [smem:$0x3FB4]  }
0x2d: {  	s3 =	simm.s32 $0x108;
	s8 =	sld [smem:$0x3FB5]  }
0x2e: {  	s3 =	simm.s32 @!p0 $0x1082;
	s9 =	sld [smem:$0x3FB6]  }
0x2f: {  	lr =	sadd.s32 s0, s3;
	s0 =	sld [smem:$0x3FAD]  }
0x30: {  	s3 =	sld [smem:$0x3FB0]  }
0x31: {  	[smem:$0x3FB9] =	sst s10  }
0x32: {  	s10 =	sld [smem:$0x3FB7];
	_ =	sdelay $0x3  }
0x33: {  	p0 =	seq.s32 s10, $0x1;
	s10 =	sld [smem:$0x3FB9];
	_ =	sdelay $0x3  }
0x34: {  	[smem:$0x3FB9] =	sst s10  }
0x35: {  	s10 =	sld [smem:$0x3FB8];
	_ =	sdelay $0x3  }
0x36: {  	p1 =	seq.s32 s10, $0x1;
	s10 =	sld [smem:$0x3FB9];
	_ =	sdelay $0x3  }
0x37: {  	[smem:$0x3FB9] =	sst s10  }
0x38: {  	s10 =	sld [smem:$0x3FBA]  }
0x39: {  	_ = 	snop;
	(pc) =	sbr.ind lr, $3  }
0x3a: {  	_ = 	snop  }
0x3b: {  	_ = 	snop  }
0x3c: {  	p2 =	seq.s32 s10, $0x1;
	s10 =	sld [smem:$0x3FB9]  }
0x3d: {  	_ =	shalt  }
0x3e: {  	_ =	shalt  }
0x3f: {  	_ =	shalt  }
0x40: {  	_ =	shalt  }
0x41: {  	_ =	shalt  }
0x42: {  	_ =	shalt  }
0x43: {  	_ =	shalt  }
0x44: {  	_ =	shalt  }
0x45: {  	_ =	shalt  }
0x46: {  	_ =	shalt  }
0x47: {  	_ =	shalt  }
0x48: {  	_ =	shalt  }
0x49: {  	_ =	shalt  }
0x4a: {  	_ =	shalt  }
0x4b: {  	_ =	shalt  }
0x4c: {  	_ =	shalt  }
0x4d: {  	_ =	shalt  }
0x4e: {  	_ =	shalt  }
0x4f: {  	_ =	shalt  }
0x50: {  	_ =	shalt  }
0x51: {  	_ =	shalt  }
0x52: {  	_ =	shalt  }
0x53: {  	_ =	shalt  }
0x54: {  	_ =	shalt  }
0x55: {  	_ =	shalt  }
0x56: {  	_ =	shalt  }
0x57: {  	_ =	shalt  }
0x58: {  	_ =	shalt  }
0x59: {  	_ =	shalt  }
0x5a: {  	_ =	shalt  }
0x5b: {  	_ =	shalt  }
0x5c: {  	_ =	shalt  }
0x5d: {  	_ =	shalt  }
0x5e: {  	_ =	shalt  }
0x5f: {  	_ =	shalt  }
0x60: {  	_ =	shalt  }
0x61: {  	_ =	shalt  }
0x62: {  	_ =	shalt  }
0x63: {  	_ =	shalt  }
0x64: {  	_ =	shalt  }
0x65: {  	_ =	shalt  }
0x66: {  	_ =	shalt  }
0x67: {  	_ =	shalt  }
0x68: {  	_ =	shalt  }
0x69: {  	_ =	shalt  }
0x6a: {  	_ =	shalt  }
0x6b: {  	_ =	shalt  }
0x6c: {  	_ =	shalt  }
0x6d: {  	_ =	shalt  }
0x6e: {  	_ =	shalt  }
0x6f: {  	_ =	shalt  }
0x70: {  	_ =	shalt  }
0x71: {  	_ =	shalt  }
0x72: {  	_ =	shalt  }
0x73: {  	_ =	shalt  }
0x74: {  	_ =	shalt  }
0x75: {  	_ =	shalt  }
0x76: {  	_ =	shalt  }
0x77: {  	_ =	shalt  }
0x78: {  	_ =	shalt  }
0x79: {  	_ =	shalt  }
0x7a: {  	_ =	shalt  }
0x7b: {  	_ =	shalt  }
0x7c: {  	_ =	shalt  }
0x7d: {  	_ =	shalt  }
0x7e: {  	_ =	shalt  }
0x7f: {  	_ =	shalt  }
0x80: {  	_ =	shalt  }
0x81: {  	_ =	shalt  }
0x82: {  	_ =	shalt  }
0x83: {  	_ =	shalt  }
0x84: {  	_ =	shalt  }
0x85: {  	_ =	shalt  }
0x86: {  	_ =	shalt  }
0x87: {  	_ =	shalt  }
.Lfunc_end0:
.L_simem_size_0:
called_computation_lowered:
.L_overlay_start_0:
0x88: {  	s2 =	sld [smem:$0x3FD9]  }
0x89: {  	s3 =	sld [smem:$0x3FFE];
	_ =	sdelay $0x1  }
0x8a: {  	s1 =	srdreg.scid  }
0x8b: {  	s0 =	sand.u32 $0x1, s1  }
0x8c: {  	s14 =	sshll.u32 s0, $0xA;
	s2 =	sadd.s32 s3, s2  }
0x8d: {  	s2 =	sadd.s32 s2, s14  }
0x8e: {  	[smem:$0x3FC5] =	sst s2  }
0x8f: {  	_ = 	snop  }
0x90: {  	s2 =	sld [smem:$0x3FD0];
	_ =	sdelay $0x2  }
0x91: {  	s4 =	simm.s32 $0xA;
	s5 =	simm.s32 $0x10;
	s15 =	sld [smem:$0x3FC7]  }
0x92: {  	[smem:s5], [sflag:s4] =	dma.local [hbm:s2], $0x1  }
0x93: {  	_ =	swait.eq [sflag:s4], $0x1  }
0x94: {  	s16 =	sld [smem:$0x10];
	[sflag:s4] =	ssyncset.done $0x0  }
0x95: {  	s17 =	sld [smem:$0x11];
	[sflag:s4] =	ssyncadd.s32 $0xFFFFFFFF  }
0x96: {  	s18 =	sld [smem:$0x12];
	(tm) =	ssettm $0x1  }
0x97: {  	s6 =	sld [smem:$0x3FFB];
	_ =	sdelay $0x3  }
0x98: {  	_ =	strace s6  }
0x99: {  	s6 =	sld [smem:$0x3FFC];
	_ =	sdelay $0x3  }
0x9a: {  	_ =	strace s6  }
0x9b: {  	s6 =	sld [smem:$0x3FFD];
	_ =	sdelay $0x3  }
0x9c: {  	_ =	strace s6  }
0x9d: {  	_ =	strace $0x8FFFFFFF  }
0x9e: {  	s19 =	sld [smem:$0x3FDB];
	_ =	sdelay $0x1  }
0x9f: {  	s7 =	simm.s32 $_scs_section_size  }
0xa0: {  	s8 =	simm.s32 $_size__tile_overlayer_lowered;
	s9 =	simm.s32 $_tile_overlayer_lowered  }
0xa1: {  	s22 =	simm.s32 $0x1BFF;
	s21 =	sshll.u32 s9, $0x1;
	s6 =	sadd.s32 s7, s19  }
0xa2: {  	s10 =	simm.s32 $0x0;
	s20 =	sshll.u32 s8, $0x1;
	s8 =	sadd.s32 s21, s6  }
0xa3: {  	[timem:s10], [sflag:s22] =	dma.local [hbm:s8], s20  }
0xa4: {  	_ =	swait.ge [sflag:s22], s20  }
0xa5: {  	s7 =	ssub.s32 $0x0, s20;
	[sflag:s22] =	ssyncset.done $0x0  }
0xa6: {  	[sflag:s22] =	ssyncadd.s32 s7;
	_ =	sdelay $0x1  }
0xa7: {  	s23 =	simm.s32 $0x1B8B  }
0xa8: {  	_ =	swait.ge [sflag:s23], $0x1  }
0xa9: {  	[sflag:s23] =	ssyncset.done $0x0  }
0xaa: {  	s25 =	simm.s32 $0x1B8E;
	s24 =	sld [smem:$0x3FFE];
	[sflag:s23] =	ssyncadd.s32 $0xFFFFFFFF  }
0xab: {  	s26 =	simm.s32 $execute0_lowered;
	[smem:$0x3FD2] =	sst s25  }
0xac: {  	s8 =	sshll.u32 s26, $0x1;
	_ =	strace $0x80000046;
	[dreg:$0x1] =	wrdreg $0xFFFFFFFF  }
0xad: {  	s28 =	simm.s32 $_size_execute0_lowered;
	s6 =	sadd.s32 s6, s8;
	[dreg:$0x0] =	wrdreg $0x0  }
0xae: {  	s8 =	sshll.u32 s28, $0x1;
	[dreg:$0x2] =	wrdreg s6  }
0xaf: {  	[dreg:$0x3] =	wrdreg s8  }
0xb0: {  	[dreg:$0x4] =	wrdreg $0xC0  }
0xb1: {  	_ =	task [dreg:s10], $0x5FFFF  }
0xb2: {  	[dreg:$0x1] =	wrdreg $0xFFFFFFFF  }
0xb3: {  	[dreg:$0x0] =	wrdreg $0x60  }
0xb4: {  	[dreg:$0x2] =	wrdreg s24  }
0xb5: {  	[dreg:$0x3] =	wrdreg s15  }
0xb6: {  	[dreg:$0x4] =	wrdreg s16  }
0xb7: {  	[dreg:$0x5] =	wrdreg s17  }
0xb8: {  	[dreg:$0x6] =	wrdreg s18  }
0xb9: {  	[dreg:$0x7] =	wrdreg $0x9  }
0xba: {  	_ =	task.clear_ibuf [dreg:s10], $0x8FFFF;
	_ =	strace $0x90000046  }
0xbb: {  	s29 =	simm.s32 $0x9;
	_ =	strace $0x80000048  }
0xbc: {  	_ =	swait.ge [sflag:s29], $0x1  }
0xbd: {  	[sflag:s29] =	ssyncadd.s32 $0xFFFFFFFF  }
0xbe: {  	_ =	strace $0x90000048  }
0xbf: {  	_ =	sfence  }
0xc0: {  	s30 =	sld [smem:$0x0];
	_ =	sdelay $0x2  }
0xc1: {  	s31 =	sshll.u32 s1, $0xD;
	s1 =	sshrl.u32 s1, $0x2  }
0xc2: {  	s3 =	sand.u32 $0x4000, s31;
	s1 =	sadd.s32 s1, s30  }
0xc3: {  	s0 =	sor.u32 s3, s0;
	s1 =	sshll.u32 s1, $0x11  }
0xc4: {  	s0 =	sor.u32 s1, s0  }
0xc5: {  	s0 =	sadd.s32 $0x8F2B, s0  }
0xc6: {  	[sflag:s0] =	ssyncadd.remote.s32 $0x1  }
0xc7: {  	_ =	sfence.sel $0xFFFF  }
0xc8: {  	[dreg:$0x0] =	wrdreg $0xFFFFFFFF;
	(pc) =	sbr.abs _section_cstart, $3  }
0xc9: {  	[dreg:$0x1] =	wrdreg $0xFFFFFFFF  }
0xca: {  	_ =	task.clear_ibuf [dreg:s10], $0x2FFFF;
	_ =	strace $0x9FFFFFFF  }
0xcb: {  	(tm) =	ssettm $0x7FFFFFFF  }
tec
execute0_lowered:
.L_overlay_start_1:
0x0: {  	(tag) =	ssettag $0x1  }
0x1: {  	s1 =	rddreg [dreg:$0x0]  }
0x2: {  	s3 =	rddreg [dreg:$0x1]  }
0x3: {  	s5 =	rddreg [dreg:$0x2]  }
0x4: {  	s4 =	rddreg [dreg:$0x3]  }
0x5: {  	s0 =	rddreg [dreg:$0x4]  }
0x6: {  	s2 =	srdreg.scid;
	s7 =	stileid.u32  }
0x7: {  	s30 =	simm.s32 $0x100;
	s31 =	simm.s32 $0x180;
	s28 =	simm.s32 $0x300  }
0x8: {  	s29 =	simm.s32 $0x380;
	p0 =	por $0x0, $0x0;
	s6 =	sand.u32 $0x1, s2  }
0x9: {  	s2 =	simm.s32 $0x0;
	s7 =	sshll.u32 s7, $0xA;
	s8 =	sshll.u32 s6, $0x9  }
0xa: {  	[smem:$0x7FF] =	sst s2;
	s6 =	ssub.s32 $0x2, s6;
	s7 =	sor.u32 s8, s7  }
0xb: {  	s8 =	sadd.s32 $0xC00, s1;
	_ =	strace $0x80000047;
	s9 =	sshrl.u32 s7, $0x3  }
0xc: {  	s10 =	sor.u32 $0x80, s7;
	s26 =	sshll.u32 s7, $0x4;
	s16 =	sor.u32 $0x100, s7  }
0xd: {  	s7 =	sor.u32 $0x180, s7;
	s9 =	sadd.s32 s8, s9;
	s11 =	sshrl.u32 s10, $0x3  }
0xe: {  	s12 =	sadd.s32 s5, s26;
	s13 =	sadd.s32 s4, s26;
	[dreg:$0x6] =	wrdreg s9  }
0xf: {  	s15 =	sadd.s32 s0, s26;
	s18 =	sshrl.u32 s16, $0x3;
	[dreg:$0x8] =	wrdreg s12  }
0x10: {  	s10 =	sshll.u32 s10, $0x4;
	s25 =	sadd.s32 s8, s11;
	[dreg:$0x9] =	wrdreg s13  }
0x11: {  	s12 =	sor.u32 $0x8, s26;
	[dreg:$0xb] =	wrdreg s15;
	s19 =	sadd.s32 s8, s18  }
0x12: {  	s20 =	sadd.s32 s5, s10;
	s21 =	sadd.s32 s4, s10;
	s22 =	sor.u32 $0x8, s10  }
0x13: {  	s24 =	sadd.s32 s0, s10;
	s26 =	sshrl.u32 s7, $0x3;
	[dreg:$0x7] =	wrdreg s25  }
0x14: {  	s11 =	sshll.u32 s16, $0x4;
	s7 =	sshll.u32 s7, $0x4;
	[dreg:$0xd] =	wrdreg s19  }
0x15: {  	s9 =	simm.s32 $0x80;
	s10 =	simm.s32 $0x3;
	[dreg:$0xe] =	wrdreg s20  }
0x16: {  	s14 =	sadd.s32 s4, s12;
	s17 =	sadd.s32 s0, s12;
	[dreg:$0xf] =	wrdreg s21  }
0x17: {  	s23 =	sadd.s32 s4, s22;
	[dreg:$0x11] =	wrdreg s24;
	s25 =	sadd.s32 s0, s22  }
0x18: {  	s8 =	sadd.s32 s8, s26;
	s12 =	sadd.s32 s5, s11;
	[dreg:$0xa] =	wrdreg s14  }
0x19: {  	s13 =	sadd.s32 s4, s11;
	s15 =	sor.u32 $0x8, s11;
	[dreg:$0xc] =	wrdreg s17  }
0x1a: {  	s18 =	sadd.s32 s0, s11;
	s21 =	sadd.s32 s5, s7;
	[dreg:$0x10] =	wrdreg s23  }
0x1b: {  	s5 =	sadd.s32 s4, s7;
	s22 =	sor.u32 $0x8, s7;
	[dreg:$0x12] =	wrdreg s25  }
0x1c: {  	s7 =	sadd.s32 s0, s7;
	s24 =	simm.s32 $0x4000;
	[dreg:$0x13] =	wrdreg s8  }
0x1d: {  	s11 =	simm.s32 $0xA400;
	s26 =	simm.s32 $0x280;
	[dreg:$0x14] =	wrdreg s12  }
0x1e: {  	s14 =	sadd.s32 $0x2C00, s1;
	[dreg:$0x15] =	wrdreg s13;
	s16 =	sadd.s32 s4, s15  }
0x1f: {  	s17 =	sshrl.u32 s6, $0x1;
	[dreg:$0x17] =	wrdreg s18;
	s19 =	sadd.s32 s0, s15  }
0x20: {  	[dreg:$0x19] =	wrdreg s21;
	s8 =	sadd.s32 s0, s22;
	s20 =	ssub.s32 s6, s17  }
0x21: {  	s18 =	simm.s32 $0x10400;
	s21 =	simm.s32 $0x400;
	s23 =	smax.u32 s20, $0x1  }
0x22: {  	s25 =	simm.s32 $0x200;
	s1 =	rddreg [dreg:$0x6];
	p1 =	sne.s32 s23, $0x1  }
.Ltmp0:
0x23: {  	s12 =	simm.s32 $0xE400;
	[dreg:$0x16] =	wrdreg s16;
	(pc) =	sbr.rel @!p1 .LBB2_3-.Ltmp0, $4  }
0x24: {  	s13 =	simm.s32 $0x12400;
	s15 =	simm.s32 $0x40;
	[dreg:$0x18] =	wrdreg s19  }
0x25: {  	s6 =	sadd.s32 s4, s22;
	s22 =	simm.s32 $0x5;
	s16 =	simm.s32 $0x8400  }
0x26: {  	s19 =	simm.s32 $0xC400;
	s17 =	simm.s32 $0x4400;
	s4 =	simm.s32 $0x4  }
0x27: {  	s20 =	simm.s32 $0x2;
	s0 =	sadd.s32 $0xFFFFFFFF, s23;
	s23 =	simm.s32 $0x1  }
0x28: {  	[tilespmem:s2], [sflag:$0x5] =	stream.strided.gather [hbm4b:s1+s9], $0x200, s24, s9, $0x38;
	[tilespmem:$0x14400] =	vst v63  }
0x29: {  	_ =	swait.ge [sflag:s22], $0x200  }
0x2a: {  	[sflag:s22] =	ssyncset.done $0x0  }
0x2b: {  	[sflag:s22] =	ssyncadd.s32 $0xFFFFFE00  }
0x2c: {  	[tilespmem:s16], [sflag:$0x1] =	stream.indirect.gather [hbm4b:s14+s9], $0x40, s2, s9, $0xb8;
	[tilespmem:$0x14400] =	vst v63  }
0x2d: {  	_ = 	snop  }
0x2e: {  	[tilespmem:s19], [sflag:$0x1] =	stream.indirect.gather [hbm4b:s14+s9], $0x40, s9, s9, $0xb8;
	[tilespmem:$0x14400] =	vst v63  }
0x2f: {  	_ = 	snop  }
0x30: {  	[tilespmem:s18], [sflag:$0x1] =	stream.indirect.gather [hbm4b:s14+s9], $0x40, s30, s9, $0xb8;
	[tilespmem:$0x14400] =	vst v63  }
0x31: {  	_ = 	snop  }
0x32: {  	[tilespmem:s21], [sflag:$0x1] =	stream.indirect.gather [hbm4b:s3+s9], $0x80, s31, s9, $0xb8;
	[tilespmem:$0x14400] =	vst v63  }
0x33: {  	s1 =	rddreg [dreg:$0x7]  }
0x34: {  	[tilespmem:s25], [sflag:$0x5] =	stream.strided.gather [hbm4b:s1+s9], $0x200, s24, s9, $0x38;
	[tilespmem:$0x14400] =	vst v63  }
0x35: {  	_ =	swait.ge [sflag:s22], $0x200  }
0x36: {  	[sflag:s22] =	ssyncset.done $0x0  }
0x37: {  	[sflag:s22] =	ssyncadd.s32 $0xFFFFFE00  }
0x38: {  	[tilespmem:s11], [sflag:$0x2] =	stream.indirect.gather [hbm4b:s14+s9], $0x40, s25, s9, $0xb8;
	[tilespmem:$0x14400] =	vst v63  }
0x39: {  	_ = 	snop  }
0x3a: {  	[tilespmem:s12], [sflag:$0x2] =	stream.indirect.gather [hbm4b:s14+s9], $0x40, s26, s9, $0xb8;
	[tilespmem:$0x14400] =	vst v63  }
0x3b: {  	_ = 	snop  }
0x3c: {  	[tilespmem:s13], [sflag:$0x2] =	stream.indirect.gather [hbm4b:s14+s9], $0x40, s28, s9, $0xb8;
	[tilespmem:$0x14400] =	vst v63  }
0x3d: {  	_ = 	snop  }
0x3e: {  	[tilespmem:s17], [sflag:$0x2] =	stream.indirect.gather [hbm4b:s3+s9], $0x80, s29, s9, $0xb8;
	[tilespmem:$0x14400] =	vst v63  }
0x3f: {  	_ =	swait.ge [sflag:s23], $0x2000  }
0x40: {  	[sflag:s23] =	ssyncset.done $0x0  }
0x41: {  	[sflag:s23] =	ssyncadd.s32 $0xFFFFE000  }
0x42: {  	_ =	swait.ge [sflag:s23], $0x2000  }
0x43: {  	[sflag:s23] =	ssyncset.done $0x0  }
0x44: {  	[sflag:s23] =	ssyncadd.s32 $0xFFFFE000  }
0x45: {  	_ =	swait.ge [sflag:s23], $0x2000  }
0x46: {  	[sflag:s23] =	ssyncset.done $0x0  }
0x47: {  	[sflag:s23] =	ssyncadd.s32 $0xFFFFE000  }
0x48: {  	_ =	swait.ge [sflag:s23], $0x4000  }
0x49: {  	[dreg:$0x1a] =	wrdreg s0;
	[sflag:s23] =	ssyncset.done $0x0  }
0x4a: {  	s1 =	rddreg [dreg:$0x8];
	[sflag:s23] =	ssyncadd.s32 $0xFFFFC000  }
0x4b: {  	[hbm4b:s1+s2] =	stream.linear.scatter [tilespmem:s21], [sflag:$0x3], $0x4000, $0x38;
	[tilespmem:$0x14400] =	vst v63  }
0x4c: {  	s0 =	rddreg [dreg:$0x9]  }
0x4d: {  	[hbm4b:s0+s15] =	stream.strided.scatter [tilespmem:s16], [sflag:$0x3], $0x2000, s9, s15, $0x38;
	[tilespmem:$0x14400] =	vst v63  }
0x4e: {  	s1 =	rddreg [dreg:$0xa]  }
0x4f: {  	[hbm4b:s1+s15] =	stream.strided.scatter [tilespmem:s19], [sflag:$0x3], $0x2000, s9, s15, $0x38;
	[tilespmem:$0x14400] =	vst v63  }
0x50: {  	s0 =	rddreg [dreg:$0xb]  }
0x51: {  	[hbm4b:s0+s15] =	stream.strided.scatter [tilespmem:s16], [sflag:$0x3], $0x2000, s9, s15, $0x38;
	[tilespmem:$0x14400] =	vst v63  }
0x52: {  	s1 =	rddreg [dreg:$0xc]  }
0x53: {  	[hbm4b:s1+s15] =	stream.strided.scatter [tilespmem:s18], [sflag:$0x3], $0x2000, s9, s15, $0x38;
	[tilespmem:$0x14400] =	vst v63  }
0x54: {  	_ =	swait.ge [sflag:s10], $0x4000  }
0x55: {  	[sflag:s10] =	ssyncset.done $0x0  }
0x56: {  	[sflag:s10] =	ssyncadd.s32 $0xFFFFC000  }
0x57: {  	_ =	swait.ge [sflag:s10], $0x2000  }
0x58: {  	[sflag:s10] =	ssyncset.done $0x0  }
0x59: {  	[sflag:s10] =	ssyncadd.s32 $0xFFFFE000  }
0x5a: {  	_ =	swait.ge [sflag:s10], $0x2000  }
0x5b: {  	[sflag:s10] =	ssyncset.done $0x0  }
0x5c: {  	[sflag:s10] =	ssyncadd.s32 $0xFFFFE000  }
0x5d: {  	_ =	swait.ge [sflag:s10], $0x2000  }
0x5e: {  	[sflag:s10] =	ssyncset.done $0x0  }
0x5f: {  	[sflag:s10] =	ssyncadd.s32 $0xFFFFE000  }
0x60: {  	_ =	swait.ge [sflag:s10], $0x2000  }
0x61: {  	[sflag:s10] =	ssyncset.done $0x0  }
0x62: {  	s1 =	rddreg [dreg:$0xd];
	[sflag:s10] =	ssyncadd.s32 $0xFFFFE000  }
0x63: {  	[tilespmem:s2], [sflag:$0x5] =	stream.strided.gather [hbm4b:s1+s9], $0x200, s24, s9, $0x38;
	[tilespmem:$0x14400] =	vst v63  }
0x64: {  	_ =	swait.ge [sflag:s22], $0x200  }
0x65: {  	[sflag:s22] =	ssyncset.done $0x0  }
0x66: {  	[sflag:s22] =	ssyncadd.s32 $0xFFFFFE00  }
0x67: {  	[tilespmem:s16], [sflag:$0x1] =	stream.indirect.gather [hbm4b:s14+s9], $0x40, s2, s9, $0xb8;
	[tilespmem:$0x14400] =	vst v63  }
0x68: {  	_ = 	snop  }
0x69: {  	[tilespmem:s19], [sflag:$0x1] =	stream.indirect.gather [hbm4b:s14+s9], $0x40, s9, s9, $0xb8;
	[tilespmem:$0x14400] =	vst v63  }
0x6a: {  	_ = 	snop  }
0x6b: {  	[tilespmem:s18], [sflag:$0x1] =	stream.indirect.gather [hbm4b:s14+s9], $0x40, s30, s9, $0xb8;
	[tilespmem:$0x14400] =	vst v63  }
0x6c: {  	_ = 	snop  }
0x6d: {  	[tilespmem:s21], [sflag:$0x1] =	stream.indirect.gather [hbm4b:s3+s9], $0x80, s31, s9, $0xb8;
	[tilespmem:$0x14400] =	vst v63  }
0x6e: {  	_ =	swait.ge [sflag:s20], $0x2000  }
0x6f: {  	[sflag:s20] =	ssyncset.done $0x0  }
0x70: {  	[sflag:s20] =	ssyncadd.s32 $0xFFFFE000  }
0x71: {  	_ =	swait.ge [sflag:s20], $0x2000  }
0x72: {  	[sflag:s20] =	ssyncset.done $0x0  }
0x73: {  	[sflag:s20] =	ssyncadd.s32 $0xFFFFE000  }
0x74: {  	_ =	swait.ge [sflag:s20], $0x2000  }
0x75: {  	[sflag:s20] =	ssyncset.done $0x0  }
0x76: {  	[sflag:s20] =	ssyncadd.s32 $0xFFFFE000  }
0x77: {  	_ =	swait.ge [sflag:s20], $0x4000  }
0x78: {  	[sflag:s20] =	ssyncset.done $0x0  }
0x79: {  	s0 =	rddreg [dreg:$0xe];
	[sflag:s20] =	ssyncadd.s32 $0xFFFFC000  }
0x7a: {  	[hbm4b:s0+s2] =	stream.linear.scatter [tilespmem:s17], [sflag:$0x4], $0x4000, $0x38;
	[tilespmem:$0x14400] =	vst v63  }
0x7b: {  	s1 =	rddreg [dreg:$0xf]  }
0x7c: {  	[hbm4b:s1+s15] =	stream.strided.scatter [tilespmem:s11], [sflag:$0x4], $0x2000, s9, s15, $0x38;
	[tilespmem:$0x14400] =	vst v63  }
0x7d: {  	s0 =	rddreg [dreg:$0x10]  }
0x7e: {  	[hbm4b:s0+s15] =	stream.strided.scatter [tilespmem:s12], [sflag:$0x4], $0x2000, s9, s15, $0x38;
	[tilespmem:$0x14400] =	vst v63  }
0x7f: {  	s1 =	rddreg [dreg:$0x11]  }
0x80: {  	[hbm4b:s1+s15] =	stream.strided.scatter [tilespmem:s11], [sflag:$0x4], $0x2000, s9, s15, $0x38;
	[tilespmem:$0x14400] =	vst v63  }
0x81: {  	s0 =	rddreg [dreg:$0x12]  }
0x82: {  	[hbm4b:s0+s15] =	stream.strided.scatter [tilespmem:s13], [sflag:$0x4], $0x2000, s9, s15, $0x38;
	[tilespmem:$0x14400] =	vst v63  }
0x83: {  	_ =	swait.ge [sflag:s4], $0x4000  }
0x84: {  	[sflag:s4] =	ssyncset.done $0x0  }
0x85: {  	[sflag:s4] =	ssyncadd.s32 $0xFFFFC000  }
0x86: {  	_ =	swait.ge [sflag:s4], $0x2000  }
0x87: {  	[sflag:s4] =	ssyncset.done $0x0  }
0x88: {  	[sflag:s4] =	ssyncadd.s32 $0xFFFFE000  }
0x89: {  	_ =	swait.ge [sflag:s4], $0x2000  }
0x8a: {  	[sflag:s4] =	ssyncset.done $0x0  }
0x8b: {  	[sflag:s4] =	ssyncadd.s32 $0xFFFFE000  }
0x8c: {  	_ =	swait.ge [sflag:s4], $0x2000  }
0x8d: {  	[sflag:s4] =	ssyncset.done $0x0  }
0x8e: {  	[sflag:s4] =	ssyncadd.s32 $0xFFFFE000  }
0x8f: {  	_ =	swait.ge [sflag:s4], $0x2000  }
0x90: {  	[sflag:s4] =	ssyncset.done $0x0  }
0x91: {  	s1 =	rddreg [dreg:$0x13];
	[sflag:s4] =	ssyncadd.s32 $0xFFFFE000  }
0x92: {  	[tilespmem:s25], [sflag:$0x5] =	stream.strided.gather [hbm4b:s1+s9], $0x200, s24, s9, $0x38;
	[tilespmem:$0x14400] =	vst v63  }
0x93: {  	_ =	swait.ge [sflag:s22], $0x200  }
0x94: {  	[sflag:s22] =	ssyncset.done $0x0  }
0x95: {  	[sflag:s22] =	ssyncadd.s32 $0xFFFFFE00  }
0x96: {  	[tilespmem:s11], [sflag:$0x2] =	stream.indirect.gather [hbm4b:s14+s9], $0x40, s25, s9, $0xb8;
	[tilespmem:$0x14400] =	vst v63  }
0x97: {  	_ = 	snop  }
0x98: {  	[tilespmem:s12], [sflag:$0x2] =	stream.indirect.gather [hbm4b:s14+s9], $0x40, s26, s9, $0xb8;
	[tilespmem:$0x14400] =	vst v63  }
0x99: {  	_ = 	snop  }
0x9a: {  	[tilespmem:s13], [sflag:$0x2] =	stream.indirect.gather [hbm4b:s14+s9], $0x40, s28, s9, $0xb8;
	[tilespmem:$0x14400] =	vst v63  }
0x9b: {  	_ = 	snop  }
0x9c: {  	[tilespmem:s17], [sflag:$0x2] =	stream.indirect.gather [hbm4b:s3+s9], $0x80, s29, s9, $0xb8;
	[tilespmem:$0x14400] =	vst v63  }
0x9d: {  	_ =	swait.ge [sflag:s23], $0x2000  }
0x9e: {  	[sflag:s23] =	ssyncset.done $0x0  }
0x9f: {  	[sflag:s23] =	ssyncadd.s32 $0xFFFFE000  }
0xa0: {  	_ =	swait.ge [sflag:s23], $0x2000  }
0xa1: {  	[sflag:s23] =	ssyncset.done $0x0  }
0xa2: {  	[sflag:s23] =	ssyncadd.s32 $0xFFFFE000  }
0xa3: {  	_ =	swait.ge [sflag:s23], $0x2000  }
0xa4: {  	[sflag:s23] =	ssyncset.done $0x0  }
0xa5: {  	[sflag:s23] =	ssyncadd.s32 $0xFFFFE000  }
0xa6: {  	_ =	swait.ge [sflag:s23], $0x4000  }
0xa7: {  	[sflag:s23] =	ssyncset.done $0x0  }
0xa8: {  	s0 =	rddreg [dreg:$0x14];
	[sflag:s23] =	ssyncadd.s32 $0xFFFFC000  }
0xa9: {  	[hbm4b:s0+s2] =	stream.linear.scatter [tilespmem:s21], [sflag:$0x3], $0x4000, $0x38;
	[tilespmem:$0x14400] =	vst v63  }
0xaa: {  	s1 =	rddreg [dreg:$0x15]  }
0xab: {  	[hbm4b:s1+s15] =	stream.strided.scatter [tilespmem:s16], [sflag:$0x3], $0x2000, s9, s15, $0x38;
	[tilespmem:$0x14400] =	vst v63  }
0xac: {  	s0 =	rddreg [dreg:$0x16]  }
0xad: {  	[hbm4b:s0+s15] =	stream.strided.scatter [tilespmem:s19], [sflag:$0x3], $0x2000, s9, s15, $0x38;
	[tilespmem:$0x14400] =	vst v63  }
0xae: {  	s1 =	rddreg [dreg:$0x17]  }
0xaf: {  	[hbm4b:s1+s15] =	stream.strided.scatter [tilespmem:s16], [sflag:$0x3], $0x2000, s9, s15, $0x38;
	[tilespmem:$0x14400] =	vst v63  }
0xb0: {  	s0 =	rddreg [dreg:$0x18]  }
0xb1: {  	[hbm4b:s0+s15] =	stream.strided.scatter [tilespmem:s18], [sflag:$0x3], $0x2000, s9, s15, $0x38;
	[tilespmem:$0x14400] =	vst v63  }
0xb2: {  	_ =	swait.ge [sflag:s20], $0x2000  }
0xb3: {  	[sflag:s20] =	ssyncset.done $0x0  }
0xb4: {  	[sflag:s20] =	ssyncadd.s32 $0xFFFFE000  }
0xb5: {  	_ =	swait.ge [sflag:s20], $0x2000  }
0xb6: {  	[sflag:s20] =	ssyncset.done $0x0  }
0xb7: {  	[sflag:s20] =	ssyncadd.s32 $0xFFFFE000  }
0xb8: {  	_ =	swait.ge [sflag:s20], $0x2000  }
0xb9: {  	[sflag:s20] =	ssyncset.done $0x0  }
0xba: {  	[sflag:s20] =	ssyncadd.s32 $0xFFFFE000  }
0xbb: {  	_ =	swait.ge [sflag:s20], $0x4000  }
0xbc: {  	[sflag:s20] =	ssyncset.done $0x0  }
0xbd: {  	s1 =	rddreg [dreg:$0x19];
	[sflag:s20] =	ssyncadd.s32 $0xFFFFC000  }
0xbe: {  	[hbm4b:s1+s2] =	stream.linear.scatter [tilespmem:s17], [sflag:$0x4], $0x4000, $0x38;
	[tilespmem:$0x14400] =	vst v63  }
0xbf: {  	_ = 	snop  }
0xc0: {  	[hbm4b:s5+s15] =	stream.strided.scatter [tilespmem:s11], [sflag:$0x4], $0x2000, s9, s15, $0x38;
	[tilespmem:$0x14400] =	vst v63  }
0xc1: {  	_ = 	snop  }
0xc2: {  	[hbm4b:s6+s15] =	stream.strided.scatter [tilespmem:s12], [sflag:$0x4], $0x2000, s9, s15, $0x38;
	[tilespmem:$0x14400] =	vst v63  }
0xc3: {  	_ = 	snop  }
0xc4: {  	[hbm4b:s7+s15] =	stream.strided.scatter [tilespmem:s11], [sflag:$0x4], $0x2000, s9, s15, $0x38;
	[tilespmem:$0x14400] =	vst v63  }
0xc5: {  	_ = 	snop  }
0xc6: {  	[hbm4b:s8+s15] =	stream.strided.scatter [tilespmem:s13], [sflag:$0x4], $0x2000, s9, s15, $0x38;
	[tilespmem:$0x14400] =	vst v63  }
0xc7: {  	_ =	swait.ge [sflag:s10], $0x4000  }
0xc8: {  	[sflag:s10] =	ssyncset.done $0x0  }
0xc9: {  	[sflag:s10] =	ssyncadd.s32 $0xFFFFC000  }
0xca: {  	_ =	swait.ge [sflag:s10], $0x2000  }
0xcb: {  	[sflag:s10] =	ssyncset.done $0x0  }
0xcc: {  	[sflag:s10] =	ssyncadd.s32 $0xFFFFE000  }
0xcd: {  	_ =	swait.ge [sflag:s10], $0x2000  }
0xce: {  	[sflag:s10] =	ssyncset.done $0x0  }
0xcf: {  	[sflag:s10] =	ssyncadd.s32 $0xFFFFE000  }
0xd0: {  	_ =	swait.ge [sflag:s10], $0x2000  }
0xd1: {  	[sflag:s10] =	ssyncset.done $0x0  }
0xd2: {  	[sflag:s10] =	ssyncadd.s32 $0xFFFFE000  }
0xd3: {  	_ =	swait.ge [sflag:s10], $0x2000  }
0xd4: {  	[sflag:s10] =	ssyncset.done $0x0  }
0xd5: {  	[sflag:s10] =	ssyncadd.s32 $0xFFFFE000  }
0xd6: {  	_ =	swait.ge [sflag:s4], $0x4000  }
0xd7: {  	[sflag:s4] =	ssyncset.done $0x0  }
0xd8: {  	[sflag:s4] =	ssyncadd.s32 $0xFFFFC000  }
0xd9: {  	_ =	swait.ge [sflag:s4], $0x2000  }
0xda: {  	[sflag:s4] =	ssyncset.done $0x0  }
0xdb: {  	[sflag:s4] =	ssyncadd.s32 $0xFFFFE000  }
0xdc: {  	_ =	swait.ge [sflag:s4], $0x2000  }
0xdd: {  	[sflag:s4] =	ssyncset.done $0x0  }
0xde: {  	[sflag:s4] =	ssyncadd.s32 $0xFFFFE000  }
0xdf: {  	_ =	swait.ge [sflag:s4], $0x2000  }
0xe0: {  	s1 =	rddreg [dreg:$0x1a]  }
0xe1: {  	p1 =	sne.s32 s1, $0x1  }
.Ltmp1:
0xe2: {  	_ = 	snop;
	(pc) =	sbr.rel @!p1 .LBB2_3-.Ltmp1, $4  }
0xe3: {  	[sflag:s4] =	ssyncset.done $0x0  }
0xe4: {  	[sflag:s4] =	ssyncadd.s32 $0xFFFFE000  }
0xe5: {  	p0 =	por $0x1, $0x1;
	_ =	swait.ge [sflag:s4], $0x2000  }
0xe6: {  	s0 =	sadd.s32 $0xFFFFFFFF, s1;
	s1 =	rddreg [dreg:$0x6];
	[sflag:s4] =	ssyncset.done $0x0  }
.LBB2_2:
0xe7: {  	[sflag:s4] =	ssyncadd.s32 $0xFFFFE000  }
0xe8: {  	[tilespmem:s2], [sflag:$0x5] =	stream.strided.gather [hbm4b:s1+s9], $0x200, s24, s9, $0x38;
	[tilespmem:$0x14400] =	vst v63  }
0xe9: {  	_ =	swait.ge [sflag:s22], $0x200  }
0xea: {  	[sflag:s22] =	ssyncset.done $0x0  }
0xeb: {  	[sflag:s22] =	ssyncadd.s32 $0xFFFFFE00  }
0xec: {  	[tilespmem:s16], [sflag:$0x1] =	stream.indirect.gather [hbm4b:s14+s9], $0x40, s2, s9, $0xb8;
	[tilespmem:$0x14400] =	vst v63  }
0xed: {  	_ = 	snop  }
0xee: {  	[tilespmem:s19], [sflag:$0x1] =	stream.indirect.gather [hbm4b:s14+s9], $0x40, s9, s9, $0xb8;
	[tilespmem:$0x14400] =	vst v63  }
0xef: {  	_ = 	snop  }
0xf0: {  	[tilespmem:s18], [sflag:$0x1] =	stream.indirect.gather [hbm4b:s14+s9], $0x40, s30, s9, $0xb8;
	[tilespmem:$0x14400] =	vst v63  }
0xf1: {  	_ = 	snop  }
0xf2: {  	[tilespmem:s21], [sflag:$0x1] =	stream.indirect.gather [hbm4b:s3+s9], $0x80, s31, s9, $0xb8;
	[tilespmem:$0x14400] =	vst v63  }
0xf3: {  	s1 =	rddreg [dreg:$0x7]  }
0xf4: {  	[tilespmem:s25], [sflag:$0x5] =	stream.strided.gather [hbm4b:s1+s9], $0x200, s24, s9, $0x38;
	[tilespmem:$0x14400] =	vst v63  }
0xf5: {  	_ =	swait.ge [sflag:s22], $0x200  }
0xf6: {  	[sflag:s22] =	ssyncset.done $0x0  }
0xf7: {  	[sflag:s22] =	ssyncadd.s32 $0xFFFFFE00  }
0xf8: {  	[tilespmem:s11], [sflag:$0x2] =	stream.indirect.gather [hbm4b:s14+s9], $0x40, s25, s9, $0xb8;
	[tilespmem:$0x14400] =	vst v63  }
0xf9: {  	_ = 	snop  }
0xfa: {  	[tilespmem:s12], [sflag:$0x2] =	stream.indirect.gather [hbm4b:s14+s9], $0x40, s26, s9, $0xb8;
	[tilespmem:$0x14400] =	vst v63  }
0xfb: {  	_ = 	snop  }
0xfc: {  	[tilespmem:s13], [sflag:$0x2] =	stream.indirect.gather [hbm4b:s14+s9], $0x40, s28, s9, $0xb8;
	[tilespmem:$0x14400] =	vst v63  }
0xfd: {  	_ = 	snop  }
0xfe: {  	[tilespmem:s17], [sflag:$0x2] =	stream.indirect.gather [hbm4b:s3+s9], $0x80, s29, s9, $0xb8;
	[tilespmem:$0x14400] =	vst v63  }
0xff: {  	_ =	swait.ge [sflag:s23], $0x2000  }
0x100: {  	[sflag:s23] =	ssyncset.done $0x0  }
0x101: {  	[sflag:s23] =	ssyncadd.s32 $0xFFFFE000  }
0x102: {  	_ =	swait.ge [sflag:s23], $0x2000  }
0x103: {  	[sflag:s23] =	ssyncset.done $0x0  }
0x104: {  	[sflag:s23] =	ssyncadd.s32 $0xFFFFE000  }
0x105: {  	_ =	swait.ge [sflag:s23], $0x2000  }
0x106: {  	[sflag:s23] =	ssyncset.done $0x0  }
0x107: {  	[sflag:s23] =	ssyncadd.s32 $0xFFFFE000  }
0x108: {  	_ =	swait.ge [sflag:s23], $0x4000  }
0x109: {  	s26 =	smov.u32 s8;
	[sflag:s23] =	ssyncset.done $0x0  }
0x10a: {  	s8 =	smov.u32 s7;
	s1 =	rddreg [dreg:$0x8];
	[sflag:s23] =	ssyncadd.s32 $0xFFFFC000  }
0x10b: {  	[hbm4b:s1+s2] =	stream.linear.scatter [tilespmem:s21], [sflag:$0x3], $0x4000, $0x38;
	[tilespmem:$0x14400] =	vst v63  }
0x10c: {  	s7 =	smov.u32 s6;
	s6 =	smov.u32 s5;
	s5 =	rddreg [dreg:$0x9]  }
0x10d: {  	[hbm4b:s5+s15] =	stream.strided.scatter [tilespmem:s16], [sflag:$0x3], $0x2000, s9, s15, $0x38;
	[tilespmem:$0x14400] =	vst v63  }
0x10e: {  	s1 =	rddreg [dreg:$0xa]  }
0x10f: {  	[hbm4b:s1+s15] =	stream.strided.scatter [tilespmem:s19], [sflag:$0x3], $0x2000, s9, s15, $0x38;
	[tilespmem:$0x14400] =	vst v63  }
0x110: {  	s5 =	rddreg [dreg:$0xb]  }
0x111: {  	[hbm4b:s5+s15] =	stream.strided.scatter [tilespmem:s16], [sflag:$0x3], $0x2000, s9, s15, $0x38;
	[tilespmem:$0x14400] =	vst v63  }
0x112: {  	s1 =	rddreg [dreg:$0xc]  }
0x113: {  	[hbm4b:s1+s15] =	stream.strided.scatter [tilespmem:s18], [sflag:$0x3], $0x2000, s9, s15, $0x38;
	[tilespmem:$0x14400] =	vst v63  }
0x114: {  	_ =	swait.ge [sflag:s10], $0x4000  }
0x115: {  	[sflag:s10] =	ssyncset.done $0x0  }
0x116: {  	[sflag:s10] =	ssyncadd.s32 $0xFFFFC000  }
0x117: {  	_ =	swait.ge [sflag:s10], $0x2000  }
0x118: {  	[sflag:s10] =	ssyncset.done $0x0  }
0x119: {  	[sflag:s10] =	ssyncadd.s32 $0xFFFFE000  }
0x11a: {  	_ =	swait.ge [sflag:s10], $0x2000  }
0x11b: {  	[sflag:s10] =	ssyncset.done $0x0  }
0x11c: {  	[sflag:s10] =	ssyncadd.s32 $0xFFFFE000  }
0x11d: {  	_ =	swait.ge [sflag:s10], $0x2000  }
0x11e: {  	[sflag:s10] =	ssyncset.done $0x0  }
0x11f: {  	[sflag:s10] =	ssyncadd.s32 $0xFFFFE000  }
0x120: {  	_ =	swait.ge [sflag:s10], $0x2000  }
0x121: {  	[sflag:s10] =	ssyncset.done $0x0  }
0x122: {  	s5 =	rddreg [dreg:$0xd];
	[sflag:s10] =	ssyncadd.s32 $0xFFFFE000  }
0x123: {  	[tilespmem:s2], [sflag:$0x5] =	stream.strided.gather [hbm4b:s5+s9], $0x200, s24, s9, $0x38;
	[tilespmem:$0x14400] =	vst v63  }
0x124: {  	_ =	swait.ge [sflag:s22], $0x200  }
0x125: {  	[sflag:s22] =	ssyncset.done $0x0  }
0x126: {  	[sflag:s22] =	ssyncadd.s32 $0xFFFFFE00  }
0x127: {  	[tilespmem:s16], [sflag:$0x1] =	stream.indirect.gather [hbm4b:s14+s9], $0x40, s2, s9, $0xb8;
	[tilespmem:$0x14400] =	vst v63  }
0x128: {  	_ = 	snop  }
0x129: {  	[tilespmem:s19], [sflag:$0x1] =	stream.indirect.gather [hbm4b:s14+s9], $0x40, s9, s9, $0xb8;
	[tilespmem:$0x14400] =	vst v63  }
0x12a: {  	_ = 	snop  }
0x12b: {  	[tilespmem:s18], [sflag:$0x1] =	stream.indirect.gather [hbm4b:s14+s9], $0x40, s30, s9, $0xb8;
	[tilespmem:$0x14400] =	vst v63  }
0x12c: {  	_ = 	snop  }
0x12d: {  	[tilespmem:s21], [sflag:$0x1] =	stream.indirect.gather [hbm4b:s3+s9], $0x80, s31, s9, $0xb8;
	[tilespmem:$0x14400] =	vst v63  }
0x12e: {  	_ =	swait.ge [sflag:s20], $0x2000  }
0x12f: {  	[sflag:s20] =	ssyncset.done $0x0  }
0x130: {  	[sflag:s20] =	ssyncadd.s32 $0xFFFFE000  }
0x131: {  	_ =	swait.ge [sflag:s20], $0x2000  }
0x132: {  	[sflag:s20] =	ssyncset.done $0x0  }
0x133: {  	[sflag:s20] =	ssyncadd.s32 $0xFFFFE000  }
0x134: {  	_ =	swait.ge [sflag:s20], $0x2000  }
0x135: {  	[sflag:s20] =	ssyncset.done $0x0  }
0x136: {  	[sflag:s20] =	ssyncadd.s32 $0xFFFFE000  }
0x137: {  	_ =	swait.ge [sflag:s20], $0x4000  }
0x138: {  	[sflag:s20] =	ssyncset.done $0x0  }
0x139: {  	s1 =	rddreg [dreg:$0xe];
	[sflag:s20] =	ssyncadd.s32 $0xFFFFC000  }
0x13a: {  	[hbm4b:s1+s2] =	stream.linear.scatter [tilespmem:s17], [sflag:$0x4], $0x4000, $0x38;
	[tilespmem:$0x14400] =	vst v63  }
0x13b: {  	s5 =	rddreg [dreg:$0xf]  }
0x13c: {  	[hbm4b:s5+s15] =	stream.strided.scatter [tilespmem:s11], [sflag:$0x4], $0x2000, s9, s15, $0x38;
	[tilespmem:$0x14400] =	vst v63  }
0x13d: {  	s1 =	rddreg [dreg:$0x10]  }
0x13e: {  	[hbm4b:s1+s15] =	stream.strided.scatter [tilespmem:s12], [sflag:$0x4], $0x2000, s9, s15, $0x38;
	[tilespmem:$0x14400] =	vst v63  }
0x13f: {  	s5 =	rddreg [dreg:$0x11]  }
0x140: {  	[hbm4b:s5+s15] =	stream.strided.scatter [tilespmem:s11], [sflag:$0x4], $0x2000, s9, s15, $0x38;
	[tilespmem:$0x14400] =	vst v63  }
0x141: {  	s1 =	rddreg [dreg:$0x12]  }
0x142: {  	[hbm4b:s1+s15] =	stream.strided.scatter [tilespmem:s13], [sflag:$0x4], $0x2000, s9, s15, $0x38;
	[tilespmem:$0x14400] =	vst v63  }
0x143: {  	_ =	swait.ge [sflag:s4], $0x4000  }
0x144: {  	[sflag:s4] =	ssyncset.done $0x0  }
0x145: {  	[sflag:s4] =	ssyncadd.s32 $0xFFFFC000  }
0x146: {  	_ =	swait.ge [sflag:s4], $0x2000  }
0x147: {  	[sflag:s4] =	ssyncset.done $0x0  }
0x148: {  	[sflag:s4] =	ssyncadd.s32 $0xFFFFE000  }
0x149: {  	_ =	swait.ge [sflag:s4], $0x2000  }
0x14a: {  	[sflag:s4] =	ssyncset.done $0x0  }
0x14b: {  	[sflag:s4] =	ssyncadd.s32 $0xFFFFE000  }
0x14c: {  	_ =	swait.ge [sflag:s4], $0x2000  }
0x14d: {  	[sflag:s4] =	ssyncset.done $0x0  }
0x14e: {  	[sflag:s4] =	ssyncadd.s32 $0xFFFFE000  }
0x14f: {  	_ =	swait.ge [sflag:s4], $0x2000  }
0x150: {  	[sflag:s4] =	ssyncset.done $0x0  }
0x151: {  	s5 =	rddreg [dreg:$0x13];
	[sflag:s4] =	ssyncadd.s32 $0xFFFFE000  }
0x152: {  	[tilespmem:s25], [sflag:$0x5] =	stream.strided.gather [hbm4b:s5+s9], $0x200, s24, s9, $0x38;
	[tilespmem:$0x14400] =	vst v63  }
0x153: {  	_ =	swait.ge [sflag:s22], $0x200  }
0x154: {  	[sflag:s22] =	ssyncset.done $0x0  }
0x155: {  	[sflag:s22] =	ssyncadd.s32 $0xFFFFFE00  }
0x156: {  	[tilespmem:s11], [sflag:$0x2] =	stream.indirect.gather [hbm4b:s14+s9], $0x40, s25, s9, $0xb8;
	[tilespmem:$0x14400] =	vst v63  }
0x157: {  	s28 =	simm.s32 $0x280  }
0x158: {  	[tilespmem:s12], [sflag:$0x2] =	stream.indirect.gather [hbm4b:s14+s9], $0x40, s28, s9, $0xb8;
	[tilespmem:$0x14400] =	vst v63  }
0x159: {  	s28 =	simm.s32 $0x300  }
0x15a: {  	[tilespmem:s13], [sflag:$0x2] =	stream.indirect.gather [hbm4b:s14+s9], $0x40, s28, s9, $0xb8;
	[tilespmem:$0x14400] =	vst v63  }
0x15b: {  	_ = 	snop  }
0x15c: {  	[tilespmem:s17], [sflag:$0x2] =	stream.indirect.gather [hbm4b:s3+s9], $0x80, s29, s9, $0xb8;
	[tilespmem:$0x14400] =	vst v63  }
0x15d: {  	_ =	swait.ge [sflag:s23], $0x2000  }
0x15e: {  	[sflag:s23] =	ssyncset.done $0x0  }
0x15f: {  	[sflag:s23] =	ssyncadd.s32 $0xFFFFE000  }
0x160: {  	_ =	swait.ge [sflag:s23], $0x2000  }
0x161: {  	[sflag:s23] =	ssyncset.done $0x0  }
0x162: {  	[sflag:s23] =	ssyncadd.s32 $0xFFFFE000  }
0x163: {  	_ =	swait.ge [sflag:s23], $0x2000  }
0x164: {  	[sflag:s23] =	ssyncset.done $0x0  }
0x165: {  	[sflag:s23] =	ssyncadd.s32 $0xFFFFE000  }
0x166: {  	_ =	swait.ge [sflag:s23], $0x4000  }
0x167: {  	[sflag:s23] =	ssyncset.done $0x0  }
0x168: {  	s1 =	rddreg [dreg:$0x14];
	[sflag:s23] =	ssyncadd.s32 $0xFFFFC000  }
0x169: {  	[hbm4b:s1+s2] =	stream.linear.scatter [tilespmem:s21], [sflag:$0x3], $0x4000, $0x38;
	[tilespmem:$0x14400] =	vst v63  }
0x16a: {  	s5 =	rddreg [dreg:$0x15]  }
0x16b: {  	[hbm4b:s5+s15] =	stream.strided.scatter [tilespmem:s16], [sflag:$0x3], $0x2000, s9, s15, $0x38;
	[tilespmem:$0x14400] =	vst v63  }
0x16c: {  	s1 =	rddreg [dreg:$0x16]  }
0x16d: {  	[hbm4b:s1+s15] =	stream.strided.scatter [tilespmem:s19], [sflag:$0x3], $0x2000, s9, s15, $0x38;
	[tilespmem:$0x14400] =	vst v63  }
0x16e: {  	s5 =	rddreg [dreg:$0x17]  }
0x16f: {  	[hbm4b:s5+s15] =	stream.strided.scatter [tilespmem:s16], [sflag:$0x3], $0x2000, s9, s15, $0x38;
	[tilespmem:$0x14400] =	vst v63  }
0x170: {  	s1 =	rddreg [dreg:$0x18]  }
0x171: {  	[hbm4b:s1+s15] =	stream.strided.scatter [tilespmem:s18], [sflag:$0x3], $0x2000, s9, s15, $0x38;
	[tilespmem:$0x14400] =	vst v63  }
0x172: {  	_ =	swait.ge [sflag:s20], $0x2000  }
0x173: {  	[sflag:s20] =	ssyncset.done $0x0  }
0x174: {  	[sflag:s20] =	ssyncadd.s32 $0xFFFFE000  }
0x175: {  	_ =	swait.ge [sflag:s20], $0x2000  }
0x176: {  	[sflag:s20] =	ssyncset.done $0x0  }
0x177: {  	[sflag:s20] =	ssyncadd.s32 $0xFFFFE000  }
0x178: {  	_ =	swait.ge [sflag:s20], $0x2000  }
0x179: {  	[sflag:s20] =	ssyncset.done $0x0  }
0x17a: {  	[sflag:s20] =	ssyncadd.s32 $0xFFFFE000  }
0x17b: {  	_ =	swait.ge [sflag:s20], $0x4000  }
0x17c: {  	[sflag:s20] =	ssyncset.done $0x0  }
0x17d: {  	s1 =	rddreg [dreg:$0x19];
	[sflag:s20] =	ssyncadd.s32 $0xFFFFC000  }
0x17e: {  	[hbm4b:s1+s2] =	stream.linear.scatter [tilespmem:s17], [sflag:$0x4], $0x4000, $0x38;
	[tilespmem:$0x14400] =	vst v63  }
0x17f: {  	s5 =	smov.u32 s6  }
0x180: {  	[hbm4b:s5+s15] =	stream.strided.scatter [tilespmem:s11], [sflag:$0x4], $0x2000, s9, s15, $0x38;
	[tilespmem:$0x14400] =	vst v63  }
0x181: {  	s6 =	smov.u32 s7  }
0x182: {  	[hbm4b:s6+s15] =	stream.strided.scatter [tilespmem:s12], [sflag:$0x4], $0x2000, s9, s15, $0x38;
	[tilespmem:$0x14400] =	vst v63  }
0x183: {  	s7 =	smov.u32 s8  }
0x184: {  	[hbm4b:s7+s15] =	stream.strided.scatter [tilespmem:s11], [sflag:$0x4], $0x2000, s9, s15, $0x38;
	[tilespmem:$0x14400] =	vst v63  }
0x185: {  	s8 =	smov.u32 s26  }
0x186: {  	[hbm4b:s8+s15] =	stream.strided.scatter [tilespmem:s13], [sflag:$0x4], $0x2000, s9, s15, $0x38;
	[tilespmem:$0x14400] =	vst v63  }
0x187: {  	_ =	swait.ge [sflag:s10], $0x4000  }
0x188: {  	[sflag:s10] =	ssyncset.done $0x0  }
0x189: {  	[sflag:s10] =	ssyncadd.s32 $0xFFFFC000  }
0x18a: {  	_ =	swait.ge [sflag:s10], $0x2000  }
0x18b: {  	[sflag:s10] =	ssyncset.done $0x0  }
0x18c: {  	[sflag:s10] =	ssyncadd.s32 $0xFFFFE000  }
0x18d: {  	_ =	swait.ge [sflag:s10], $0x2000  }
0x18e: {  	[sflag:s10] =	ssyncset.done $0x0  }
0x18f: {  	[sflag:s10] =	ssyncadd.s32 $0xFFFFE000  }
0x190: {  	_ =	swait.ge [sflag:s10], $0x2000  }
0x191: {  	[sflag:s10] =	ssyncset.done $0x0  }
0x192: {  	[sflag:s10] =	ssyncadd.s32 $0xFFFFE000  }
0x193: {  	_ =	swait.ge [sflag:s10], $0x2000  }
0x194: {  	[sflag:s10] =	ssyncset.done $0x0  }
0x195: {  	[sflag:s10] =	ssyncadd.s32 $0xFFFFE000  }
0x196: {  	_ =	swait.ge [sflag:s4], $0x4000  }
0x197: {  	[sflag:s4] =	ssyncset.done $0x0  }
0x198: {  	[sflag:s4] =	ssyncadd.s32 $0xFFFFC000  }
0x199: {  	_ =	swait.ge [sflag:s4], $0x2000  }
0x19a: {  	[sflag:s4] =	ssyncset.done $0x0  }
0x19b: {  	[sflag:s4] =	ssyncadd.s32 $0xFFFFE000  }
0x19c: {  	_ =	swait.ge [sflag:s4], $0x2000  }
0x19d: {  	[sflag:s4] =	ssyncset.done $0x0  }
0x19e: {  	p1 =	sne.s32 s0, $0x1;
	[sflag:s4] =	ssyncadd.s32 $0xFFFFE000  }
.Ltmp2:
0x19f: {  	_ =	swait.ge [sflag:s4], $0x2000;
	(pc) =	sbr.rel @p1 .LBB2_2-.Ltmp2, $4  }
0x1a0: {  	[sflag:s4] =	ssyncset.done $0x0  }
0x1a1: {  	[sflag:s4] =	ssyncadd.s32 $0xFFFFE000  }
0x1a2: {  	s0 =	sadd.s32 $0xFFFFFFFF, s0;
	_ =	swait.ge [sflag:s4], $0x2000  }
0x1a3: {  	s26 =	simm.s32 $0x280;
	s1 =	rddreg [dreg:$0x6];
	[sflag:s4] =	ssyncset.done $0x0  }
.LBB2_3:
0x1a4: {  	[sflag:s4] =	ssyncadd.s32 @p0 $0xFFFFE000  }
0x1a5: {  	[tilespmem:s2], [sflag:$0x5] =	stream.strided.gather [hbm4b:s1+s9], $0x200, s24, s9, $0x38;
	[tilespmem:$0x14400] =	vst v63  }
0x1a6: {  	_ =	swait.ge [sflag:s22], $0x200  }
0x1a7: {  	[sflag:s22] =	ssyncset.done $0x0  }
0x1a8: {  	[sflag:s22] =	ssyncadd.s32 $0xFFFFFE00  }
0x1a9: {  	[tilespmem:s16], [sflag:$0x1] =	stream.indirect.gather [hbm4b:s14+s9], $0x40, s2, s9, $0xb8;
	[tilespmem:$0x14400] =	vst v63  }
0x1aa: {  	_ = 	snop  }
0x1ab: {  	[tilespmem:s19], [sflag:$0x1] =	stream.indirect.gather [hbm4b:s14+s9], $0x40, s9, s9, $0xb8;
	[tilespmem:$0x14400] =	vst v63  }
0x1ac: {  	_ = 	snop  }
0x1ad: {  	[tilespmem:s18], [sflag:$0x1] =	stream.indirect.gather [hbm4b:s14+s9], $0x40, s30, s9, $0xb8;
	[tilespmem:$0x14400] =	vst v63  }
0x1ae: {  	_ = 	snop  }
0x1af: {  	[tilespmem:s21], [sflag:$0x1] =	stream.indirect.gather [hbm4b:s3+s9], $0x80, s31, s9, $0xb8;
	[tilespmem:$0x14400] =	vst v63  }
0x1b0: {  	s0 =	rddreg [dreg:$0x7]  }
0x1b1: {  	[tilespmem:s25], [sflag:$0x5] =	stream.strided.gather [hbm4b:s0+s9], $0x200, s24, s9, $0x38;
	[tilespmem:$0x14400] =	vst v63  }
0x1b2: {  	_ =	swait.ge [sflag:s22], $0x200  }
0x1b3: {  	[sflag:s22] =	ssyncset.done $0x0  }
0x1b4: {  	[sflag:s22] =	ssyncadd.s32 $0xFFFFFE00  }
0x1b5: {  	[tilespmem:s11], [sflag:$0x2] =	stream.indirect.gather [hbm4b:s14+s9], $0x40, s25, s9, $0xb8;
	[tilespmem:$0x14400] =	vst v63  }
0x1b6: {  	_ = 	snop  }
0x1b7: {  	[tilespmem:s12], [sflag:$0x2] =	stream.indirect.gather [hbm4b:s14+s9], $0x40, s26, s9, $0xb8;
	[tilespmem:$0x14400] =	vst v63  }
0x1b8: {  	_ = 	snop  }
0x1b9: {  	[tilespmem:s13], [sflag:$0x2] =	stream.indirect.gather [hbm4b:s14+s9], $0x40, s28, s9, $0xb8;
	[tilespmem:$0x14400] =	vst v63  }
0x1ba: {  	_ = 	snop  }
0x1bb: {  	[tilespmem:s17], [sflag:$0x2] =	stream.indirect.gather [hbm4b:s3+s9], $0x80, s29, s9, $0xb8;
	[tilespmem:$0x14400] =	vst v63  }
0x1bc: {  	_ =	swait.ge [sflag:s23], $0x2000  }
0x1bd: {  	[sflag:s23] =	ssyncset.done $0x0  }
0x1be: {  	[sflag:s23] =	ssyncadd.s32 $0xFFFFE000  }
0x1bf: {  	_ =	swait.ge [sflag:s23], $0x2000  }
0x1c0: {  	[sflag:s23] =	ssyncset.done $0x0  }
0x1c1: {  	[sflag:s23] =	ssyncadd.s32 $0xFFFFE000  }
0x1c2: {  	_ =	swait.ge [sflag:s23], $0x2000  }
0x1c3: {  	[sflag:s23] =	ssyncset.done $0x0  }
0x1c4: {  	[sflag:s23] =	ssyncadd.s32 $0xFFFFE000  }
0x1c5: {  	_ =	swait.ge [sflag:s23], $0x4000  }
0x1c6: {  	[sflag:s23] =	ssyncset.done $0x0  }
0x1c7: {  	s0 =	rddreg [dreg:$0x8];
	[sflag:s23] =	ssyncadd.s32 $0xFFFFC000  }
0x1c8: {  	[hbm4b:s0+s2] =	stream.linear.scatter [tilespmem:s21], [sflag:$0x3], $0x4000, $0x38;
	[tilespmem:$0x14400] =	vst v63  }
0x1c9: {  	s1 =	rddreg [dreg:$0x9]  }
0x1ca: {  	[hbm4b:s1+s15] =	stream.strided.scatter [tilespmem:s16], [sflag:$0x3], $0x2000, s9, s15, $0x38;
	[tilespmem:$0x14400] =	vst v63  }
0x1cb: {  	s0 =	rddreg [dreg:$0xa]  }
0x1cc: {  	[hbm4b:s0+s15] =	stream.strided.scatter [tilespmem:s19], [sflag:$0x3], $0x2000, s9, s15, $0x38;
	[tilespmem:$0x14400] =	vst v63  }
0x1cd: {  	s1 =	rddreg [dreg:$0xb]  }
0x1ce: {  	[hbm4b:s1+s15] =	stream.strided.scatter [tilespmem:s16], [sflag:$0x3], $0x2000, s9, s15, $0x38;
	[tilespmem:$0x14400] =	vst v63  }
0x1cf: {  	s0 =	rddreg [dreg:$0xc]  }
0x1d0: {  	[hbm4b:s0+s15] =	stream.strided.scatter [tilespmem:s18], [sflag:$0x3], $0x2000, s9, s15, $0x38;
	[tilespmem:$0x14400] =	vst v63  }
0x1d1: {  	_ =	swait.ge [sflag:s10], $0x4000  }
0x1d2: {  	[sflag:s10] =	ssyncset.done $0x0  }
0x1d3: {  	[sflag:s10] =	ssyncadd.s32 $0xFFFFC000  }
0x1d4: {  	_ =	swait.ge [sflag:s10], $0x2000  }
0x1d5: {  	[sflag:s10] =	ssyncset.done $0x0  }
0x1d6: {  	[sflag:s10] =	ssyncadd.s32 $0xFFFFE000  }
0x1d7: {  	_ =	swait.ge [sflag:s10], $0x2000  }
0x1d8: {  	[sflag:s10] =	ssyncset.done $0x0  }
0x1d9: {  	[sflag:s10] =	ssyncadd.s32 $0xFFFFE000  }
0x1da: {  	_ =	swait.ge [sflag:s10], $0x2000  }
0x1db: {  	[sflag:s10] =	ssyncset.done $0x0  }
0x1dc: {  	[sflag:s10] =	ssyncadd.s32 $0xFFFFE000  }
0x1dd: {  	_ =	swait.ge [sflag:s10], $0x2000  }
0x1de: {  	[sflag:s10] =	ssyncset.done $0x0  }
0x1df: {  	s1 =	rddreg [dreg:$0xd];
	[sflag:s10] =	ssyncadd.s32 $0xFFFFE000  }
0x1e0: {  	[tilespmem:s2], [sflag:$0x5] =	stream.strided.gather [hbm4b:s1+s9], $0x200, s24, s9, $0x38;
	[tilespmem:$0x14400] =	vst v63  }
0x1e1: {  	_ =	swait.ge [sflag:s22], $0x200  }
0x1e2: {  	[sflag:s22] =	ssyncset.done $0x0  }
0x1e3: {  	[sflag:s22] =	ssyncadd.s32 $0xFFFFFE00  }
0x1e4: {  	[tilespmem:s16], [sflag:$0x1] =	stream.indirect.gather [hbm4b:s14+s9], $0x40, s2, s9, $0xb8;
	[tilespmem:$0x14400] =	vst v63  }
0x1e5: {  	_ = 	snop  }
0x1e6: {  	[tilespmem:s19], [sflag:$0x1] =	stream.indirect.gather [hbm4b:s14+s9], $0x40, s9, s9, $0xb8;
	[tilespmem:$0x14400] =	vst v63  }
0x1e7: {  	_ = 	snop  }
0x1e8: {  	[tilespmem:s18], [sflag:$0x1] =	stream.indirect.gather [hbm4b:s14+s9], $0x40, s30, s9, $0xb8;
	[tilespmem:$0x14400] =	vst v63  }
0x1e9: {  	_ = 	snop  }
0x1ea: {  	[tilespmem:s21], [sflag:$0x1] =	stream.indirect.gather [hbm4b:s3+s9], $0x80, s31, s9, $0xb8;
	[tilespmem:$0x14400] =	vst v63  }
0x1eb: {  	_ =	swait.ge [sflag:s20], $0x2000  }
0x1ec: {  	[sflag:s20] =	ssyncset.done $0x0  }
0x1ed: {  	[sflag:s20] =	ssyncadd.s32 $0xFFFFE000  }
0x1ee: {  	_ =	swait.ge [sflag:s20], $0x2000  }
0x1ef: {  	[sflag:s20] =	ssyncset.done $0x0  }
0x1f0: {  	[sflag:s20] =	ssyncadd.s32 $0xFFFFE000  }
0x1f1: {  	_ =	swait.ge [sflag:s20], $0x2000  }
0x1f2: {  	[sflag:s20] =	ssyncset.done $0x0  }
0x1f3: {  	[sflag:s20] =	ssyncadd.s32 $0xFFFFE000  }
0x1f4: {  	_ =	swait.ge [sflag:s20], $0x4000  }
0x1f5: {  	[sflag:s20] =	ssyncset.done $0x0  }
0x1f6: {  	s1 =	rddreg [dreg:$0xe];
	[sflag:s20] =	ssyncadd.s32 $0xFFFFC000  }
0x1f7: {  	[hbm4b:s1+s2] =	stream.linear.scatter [tilespmem:s17], [sflag:$0x4], $0x4000, $0x38;
	[tilespmem:$0x14400] =	vst v63  }
0x1f8: {  	s30 =	rddreg [dreg:$0xf]  }
0x1f9: {  	[hbm4b:s30+s15] =	stream.strided.scatter [tilespmem:s11], [sflag:$0x4], $0x2000, s9, s15, $0x38;
	[tilespmem:$0x14400] =	vst v63  }
0x1fa: {  	s31 =	rddreg [dreg:$0x10]  }
0x1fb: {  	[hbm4b:s31+s15] =	stream.strided.scatter [tilespmem:s12], [sflag:$0x4], $0x2000, s9, s15, $0x38;
	[tilespmem:$0x14400] =	vst v63  }
0x1fc: {  	s30 =	rddreg [dreg:$0x11]  }
0x1fd: {  	[hbm4b:s30+s15] =	stream.strided.scatter [tilespmem:s11], [sflag:$0x4], $0x2000, s9, s15, $0x38;
	[tilespmem:$0x14400] =	vst v63  }
0x1fe: {  	s31 =	rddreg [dreg:$0x12]  }
0x1ff: {  	[hbm4b:s31+s15] =	stream.strided.scatter [tilespmem:s13], [sflag:$0x4], $0x2000, s9, s15, $0x38;
	[tilespmem:$0x14400] =	vst v63  }
0x200: {  	_ =	swait.ge [sflag:s4], $0x4000  }
0x201: {  	[sflag:s4] =	ssyncset.done $0x0  }
0x202: {  	[sflag:s4] =	ssyncadd.s32 $0xFFFFC000  }
0x203: {  	_ =	swait.ge [sflag:s4], $0x2000  }
0x204: {  	[sflag:s4] =	ssyncset.done $0x0  }
0x205: {  	[sflag:s4] =	ssyncadd.s32 $0xFFFFE000  }
0x206: {  	_ =	swait.ge [sflag:s4], $0x2000  }
0x207: {  	[sflag:s4] =	ssyncset.done $0x0  }
0x208: {  	[sflag:s4] =	ssyncadd.s32 $0xFFFFE000  }
0x209: {  	_ =	swait.ge [sflag:s4], $0x2000  }
0x20a: {  	[sflag:s4] =	ssyncset.done $0x0  }
0x20b: {  	[sflag:s4] =	ssyncadd.s32 $0xFFFFE000  }
0x20c: {  	_ =	swait.ge [sflag:s4], $0x2000  }
0x20d: {  	[sflag:s4] =	ssyncset.done $0x0  }
0x20e: {  	s1 =	rddreg [dreg:$0x13];
	[sflag:s4] =	ssyncadd.s32 $0xFFFFE000  }
0x20f: {  	[tilespmem:s25], [sflag:$0x5] =	stream.strided.gather [hbm4b:s1+s9], $0x200, s24, s9, $0x38;
	[tilespmem:$0x14400] =	vst v63  }
0x210: {  	_ =	swait.ge [sflag:s22], $0x200  }
0x211: {  	[sflag:s22] =	ssyncset.done $0x0  }
0x212: {  	[sflag:s22] =	ssyncadd.s32 $0xFFFFFE00  }
0x213: {  	[tilespmem:s11], [sflag:$0x2] =	stream.indirect.gather [hbm4b:s14+s9], $0x40, s25, s9, $0xb8;
	[tilespmem:$0x14400] =	vst v63  }
0x214: {  	_ = 	snop  }
0x215: {  	[tilespmem:s12], [sflag:$0x2] =	stream.indirect.gather [hbm4b:s14+s9], $0x40, s26, s9, $0xb8;
	[tilespmem:$0x14400] =	vst v63  }
0x216: {  	_ = 	snop  }
0x217: {  	[tilespmem:s13], [sflag:$0x2] =	stream.indirect.gather [hbm4b:s14+s9], $0x40, s28, s9, $0xb8;
	[tilespmem:$0x14400] =	vst v63  }
0x218: {  	_ = 	snop  }
0x219: {  	[tilespmem:s17], [sflag:$0x2] =	stream.indirect.gather [hbm4b:s3+s9], $0x80, s29, s9, $0xb8;
	[tilespmem:$0x14400] =	vst v63  }
0x21a: {  	_ =	swait.ge [sflag:s23], $0x2000  }
0x21b: {  	[sflag:s23] =	ssyncset.done $0x0  }
0x21c: {  	[sflag:s23] =	ssyncadd.s32 $0xFFFFE000  }
0x21d: {  	_ =	swait.ge [sflag:s23], $0x2000  }
0x21e: {  	[sflag:s23] =	ssyncset.done $0x0  }
0x21f: {  	[sflag:s23] =	ssyncadd.s32 $0xFFFFE000  }
0x220: {  	_ =	swait.ge [sflag:s23], $0x2000  }
0x221: {  	[sflag:s23] =	ssyncset.done $0x0  }
0x222: {  	[sflag:s23] =	ssyncadd.s32 $0xFFFFE000  }
0x223: {  	_ =	swait.ge [sflag:s23], $0x4000  }
0x224: {  	[sflag:s23] =	ssyncset.done $0x0  }
0x225: {  	s24 =	rddreg [dreg:$0x14];
	[sflag:s23] =	ssyncadd.s32 $0xFFFFC000  }
0x226: {  	[hbm4b:s24+s2] =	stream.linear.scatter [tilespmem:s21], [sflag:$0x3], $0x4000, $0x38;
	[tilespmem:$0x14400] =	vst v63  }
0x227: {  	s25 =	rddreg [dreg:$0x15]  }
0x228: {  	[hbm4b:s25+s15] =	stream.strided.scatter [tilespmem:s16], [sflag:$0x3], $0x2000, s9, s15, $0x38;
	[tilespmem:$0x14400] =	vst v63  }
0x229: {  	s26 =	rddreg [dreg:$0x16]  }
0x22a: {  	[hbm4b:s26+s15] =	stream.strided.scatter [tilespmem:s19], [sflag:$0x3], $0x2000, s9, s15, $0x38;
	[tilespmem:$0x14400] =	vst v63  }
0x22b: {  	s28 =	rddreg [dreg:$0x17]  }
0x22c: {  	[hbm4b:s28+s15] =	stream.strided.scatter [tilespmem:s16], [sflag:$0x3], $0x2000, s9, s15, $0x38;
	[tilespmem:$0x14400] =	vst v63  }
0x22d: {  	s29 =	rddreg [dreg:$0x18]  }
0x22e: {  	[hbm4b:s29+s15] =	stream.strided.scatter [tilespmem:s18], [sflag:$0x3], $0x2000, s9, s15, $0x38;
	[tilespmem:$0x14400] =	vst v63  }
0x22f: {  	_ =	swait.ge [sflag:s20], $0x2000  }
0x230: {  	[sflag:s20] =	ssyncset.done $0x0  }
0x231: {  	[sflag:s20] =	ssyncadd.s32 $0xFFFFE000  }
0x232: {  	_ =	swait.ge [sflag:s20], $0x2000  }
0x233: {  	[sflag:s20] =	ssyncset.done $0x0  }
0x234: {  	[sflag:s20] =	ssyncadd.s32 $0xFFFFE000  }
0x235: {  	_ =	swait.ge [sflag:s20], $0x2000  }
0x236: {  	[sflag:s20] =	ssyncset.done $0x0  }
0x237: {  	[sflag:s20] =	ssyncadd.s32 $0xFFFFE000  }
0x238: {  	_ =	swait.ge [sflag:s20], $0x4000  }
0x239: {  	[sflag:s20] =	ssyncset.done $0x0  }
0x23a: {  	s30 =	rddreg [dreg:$0x19];
	[sflag:s20] =	ssyncadd.s32 $0xFFFFC000  }
0x23b: {  	[hbm4b:s30+s2] =	stream.linear.scatter [tilespmem:s17], [sflag:$0x4], $0x4000, $0x38;
	[tilespmem:$0x14400] =	vst v63  }
0x23c: {  	_ = 	snop  }
0x23d: {  	[hbm4b:s5+s15] =	stream.strided.scatter [tilespmem:s11], [sflag:$0x4], $0x2000, s9, s15, $0x38;
	[tilespmem:$0x14400] =	vst v63  }
0x23e: {  	_ = 	snop  }
0x23f: {  	[hbm4b:s6+s15] =	stream.strided.scatter [tilespmem:s12], [sflag:$0x4], $0x2000, s9, s15, $0x38;
	[tilespmem:$0x14400] =	vst v63  }
0x240: {  	_ = 	snop  }
0x241: {  	[hbm4b:s7+s15] =	stream.strided.scatter [tilespmem:s11], [sflag:$0x4], $0x2000, s9, s15, $0x38;
	[tilespmem:$0x14400] =	vst v63  }
0x242: {  	_ = 	snop  }
0x243: {  	[hbm4b:s8+s15] =	stream.strided.scatter [tilespmem:s13], [sflag:$0x4], $0x2000, s9, s15, $0x38;
	[tilespmem:$0x14400] =	vst v63  }
0x244: {  	_ =	swait.ge [sflag:s10], $0x4000  }
0x245: {  	[sflag:s10] =	ssyncset.done $0x0  }
0x246: {  	[sflag:s10] =	ssyncadd.s32 $0xFFFFC000  }
0x247: {  	_ =	swait.ge [sflag:s10], $0x2000  }
0x248: {  	[sflag:s10] =	ssyncset.done $0x0  }
0x249: {  	[sflag:s10] =	ssyncadd.s32 $0xFFFFE000  }
0x24a: {  	_ =	swait.ge [sflag:s10], $0x2000  }
0x24b: {  	[sflag:s10] =	ssyncset.done $0x0  }
0x24c: {  	[sflag:s10] =	ssyncadd.s32 $0xFFFFE000  }
0x24d: {  	_ =	swait.ge [sflag:s10], $0x2000  }
0x24e: {  	[sflag:s10] =	ssyncset.done $0x0  }
0x24f: {  	[sflag:s10] =	ssyncadd.s32 $0xFFFFE000  }
0x250: {  	_ =	swait.ge [sflag:s10], $0x2000  }
0x251: {  	[sflag:s10] =	ssyncset.done $0x0  }
0x252: {  	[sflag:s10] =	ssyncadd.s32 $0xFFFFE000  }
0x253: {  	_ =	swait.ge [sflag:s4], $0x4000  }
0x254: {  	[sflag:s4] =	ssyncset.done $0x0  }
0x255: {  	[sflag:s4] =	ssyncadd.s32 $0xFFFFC000  }
0x256: {  	_ =	swait.ge [sflag:s4], $0x2000  }
0x257: {  	[sflag:s4] =	ssyncset.done $0x0  }
0x258: {  	[sflag:s4] =	ssyncadd.s32 $0xFFFFE000  }
0x259: {  	_ =	swait.ge [sflag:s4], $0x2000  }
0x25a: {  	[sflag:s4] =	ssyncset.done $0x0  }
0x25b: {  	[sflag:s4] =	ssyncadd.s32 $0xFFFFE000  }
0x25c: {  	_ =	swait.ge [sflag:s4], $0x2000  }
0x25d: {  	[sflag:s4] =	ssyncset.done $0x0  }
0x25e: {  	[sflag:s4] =	ssyncadd.s32 $0xFFFFE000  }
0x25f: {  	_ =	swait.ge [sflag:s4], $0x2000  }
0x260: {  	[sflag:s4] =	ssyncset.done $0x0  }
0x261: {  	[sflag:s4] =	ssyncadd.s32 $0xFFFFE000  }
0x262: {  	_ =	sfence.sel $0x180000  }
0x263: {  	[bflag:$0x0] =	sbarrier.arrive $0xFFFF  }
0x264: {  	_ =	strace $0x90000047  }
0x265: {  	s31 =	stileid.u32;
	[bflag:$0x2] =	sbarrier.arrive $0xFFFF  }
0x266: {  	p0 =	sne.s32 s31, $0x0;
	s0 =	rddreg [dreg:$0x5]  }
0x267: {  	s0 =	sadd.s32 @!p0 $0x100000, s0  }
0x268: {  	[sflag:s0] =	ssyncadd.tile.s32 @!p0 $0x1;
	_ =	shalt  }
.Lfunc_end2:
_tile_overlayer_lowered:
.L_overlay_start_2:
0x269: {  	(tag) =	ssettag $0x2  }
0x26a: {  	s0 =	rddreg [dreg:$0x0];
	s2 =	stileid.u32  }
0x26b: {  	s1 =	rddreg [dreg:$0x1];
	p0 =	sne.s32 s2, $0x0  }
0x26c: {  	s3 =	rddreg [dreg:$0x2];
	[bflag:$0x3] =	sbarrier.arrive $0xFFFF;
	s2 =	simm.s32 @!p0 $0x1C05  }
0x26d: {  	[timem:s3], [sflag:s2] =	dma.local @!p0 [hbm:s0], s1  }
0x26e: {  	s0 =	simm.s32 @!p0 $0x5  }
0x26f: {  	_ =	swait.ge @!p0 [sflag:s0], s1  }
0x270: {  	s1 =	ssub.s32 @!p0 $0x0, s1;
	[sflag:s0] =	ssyncset.done @!p0 $0x0  }
0x271: {  	[sflag:s0] =	ssyncadd.s32 @!p0 s1  }
0x272: {  	[bflag:$0x3] =	sbarrier.arrive $0xFFFF  }
0x273: {  	_ =	shalt  }

</sc_bundles>
